<compile_context>
chip_gen: v7x
topology: tpu7x:2x2x1
jax: 0.10.2.dev20260603
libtpu: 0.0.44.dev20260713+nightly
codegen_flags: <defaults>
</compile_context>

<pallas_src>
import functools
import math

import jax
import jax.numpy as jnp
from jax import lax
from jax.experimental import pallas as pl
from jax.experimental.pallas import tpu as pltpu
from jax.experimental.pallas import tpu_sc as plsc

N = 10000
E = 320000
NFEAT = 128
NHID = 128
NCLASS = 64
BN_EPS = 1e-5

NC = 2
NS = 16
NW = NC * NS
CH = 128
NCHUNK = 158
EPT = NCHUNK * CH
E_PAD = NS * EPT
ACC_N = 10240
D0 = 80
D2 = 32
BR = 2048
_BN_SCALE = 1.0 / math.sqrt(1.0 + BN_EPS)


def _make_seg_sum(drow):
  mesh = plsc.VectorSubcoreMesh(core_axis_name="c", subcore_axis_name="s")
  rps = ACC_N // NS

  @functools.partial(
      pl.kernel,
      out_type=jax.ShapeDtypeStruct((NC, ACC_N, drow), jnp.float32),
      mesh=mesh,
      compiler_params=pltpu.CompilerParams(use_tc_tiling_on_sc=False,
                                           needs_layout_passes=False),
      scratch_types=[
          pltpu.VMEM((NCHUNK, CH), jnp.int32),
          pltpu.VMEM((NCHUNK, CH), jnp.int32),
          pltpu.VMEM((CH, drow), jnp.float32),
          pltpu.VMEM((CH, drow), jnp.float32),
          pltpu.VMEM((16, drow), jnp.float32),
          pltpu.VMEM_SHARED((ACC_N, drow), jnp.float32),
          pltpu.SemaphoreType.DMA,
          pltpu.SemaphoreType.DMA,
      ],
  )
  def seg_sum(y_hbm, src_hbm, dst_hbm, out_hbm,
              src_v, dst_v, rows0, rows1, zbuf, acc, sem0, sem1):
    c = lax.axis_index("c")
    s = lax.axis_index("s")

    zv = jnp.zeros((16,), jnp.float32)
    for i in range(16):
      for j in range(drow // 16):
        zbuf[i, pl.ds(j * 16, 16)] = zv

    @pl.loop(0, rps // 16)
    def _zero(k):
      pltpu.sync_copy(zbuf, acc.at[pl.ds(s * rps + k * 16, 16)])

    pltpu.sync_copy(src_hbm.at[c, s], src_v)
    pltpu.sync_copy(dst_hbm.at[s], dst_v)
    plsc.subcore_barrier()

    pltpu.async_copy(y_hbm.at[src_v.at[0]], rows0, sem0)
    pltpu.async_copy(y_hbm.at[src_v.at[1]], rows1, sem1)

    @pl.loop(0, (NCHUNK - 2) // 2)
    def _chunks(j):
      i = 2 * j
      pltpu.make_async_copy(y_hbm.at[src_v.at[i]], rows0, sem0).wait()
      pltpu.sync_copy(rows0, acc.at[dst_v.at[i]], add=True)
      pltpu.async_copy(y_hbm.at[src_v.at[i + 2]], rows0, sem0)
      pltpu.make_async_copy(y_hbm.at[src_v.at[i + 1]], rows1, sem1).wait()
      pltpu.sync_copy(rows1, acc.at[dst_v.at[i + 1]], add=True)
      pltpu.async_copy(y_hbm.at[src_v.at[i + 3]], rows1, sem1)

    pltpu.make_async_copy(y_hbm.at[src_v.at[NCHUNK - 2]], rows0, sem0).wait()
    pltpu.sync_copy(rows0, acc.at[dst_v.at[NCHUNK - 2]], add=True)
    pltpu.make_async_copy(y_hbm.at[src_v.at[NCHUNK - 1]], rows1, sem1).wait()
    pltpu.sync_copy(rows1, acc.at[dst_v.at[NCHUNK - 1]], add=True)

    plsc.subcore_barrier()
    pltpu.sync_copy(acc.at[pl.ds(s * rps, rps)],
                    out_hbm.at[c, pl.ds(s * rps, rps)])

  return seg_sum


_seg_sum_l0 = _make_seg_sum(D0)
_seg_sum_l2 = _make_seg_sum(D2)



def _stage_a(x, wl0t, wr0t):
  def body(x_ref, wl_ref, wr_ref, ycat_ref, r0_ref):
    xv = x_ref[...]
    y0 = jnp.dot(xv, wl_ref[...], preferred_element_type=jnp.float32)
    ones = jnp.ones((BR, 16), jnp.float32)
    ycat_ref[0] = jnp.concatenate([y0[:, :64], ones], axis=1)
    ycat_ref[1] = jnp.concatenate([y0[:, 64:], ones], axis=1)
    r0_ref[...] = jnp.dot(xv, wr_ref[...], preferred_element_type=jnp.float32)

  return pl.pallas_call(
      body,
      grid=(ACC_N // BR,),
      in_specs=[
          pl.BlockSpec((BR, NFEAT), lambda i: (i, 0)),
          pl.BlockSpec((NFEAT, NHID), lambda i: (0, 0)),
          pl.BlockSpec((NFEAT, NHID), lambda i: (0, 0)),
      ],
      out_specs=[
          pl.BlockSpec((NC, BR, D0), lambda i: (0, i, 0)),
          pl.BlockSpec((BR, NHID), lambda i: (i, 0)),
      ],
      out_shape=[
          jax.ShapeDtypeStruct((NC, ACC_N, D0), jnp.float32),
          jax.ShapeDtypeStruct((ACC_N, NHID), jnp.float32),
      ],
  )(x, wl0t, wr0t)


def _stage_b(p0, r0, b0, gamma, beta, wl2t, wr2t, b2):
  def body(p_ref, r0_ref, b0_ref, g_ref, be_ref, wl_ref, wr_ref,
           b2_ref, y2_ref, r2b_ref, inv8_ref):
    agg = jnp.concatenate([p_ref[0, :, :64], p_ref[1, :, :64]], axis=1)
    cnt = p_ref[0, :, 64:65]
    inv = 1.0 / jnp.maximum(cnt, 1.0)
    pre = agg * inv + r0_ref[...] + b0_ref[...]
    h = jnp.maximum(pre * (g_ref[...] * _BN_SCALE) + be_ref[...], 0.0)
    y2 = jnp.dot(h, wl_ref[...], preferred_element_type=jnp.float32)
    y2_ref[0] = y2[:, :D2]
    y2_ref[1] = y2[:, D2:]
    r2b_ref[...] = jnp.dot(h, wr_ref[...],
                           preferred_element_type=jnp.float32) + b2_ref[...]
    inv8_ref[...] = jnp.broadcast_to(inv, (BR, 8))

  return pl.pallas_call(
      body,
      grid=(ACC_N // BR,),
      in_specs=[
          pl.BlockSpec((NC, BR, D0), lambda i: (0, i, 0)),
          pl.BlockSpec((BR, NHID), lambda i: (i, 0)),
          pl.BlockSpec((NHID,), lambda i: (0,)),
          pl.BlockSpec((NHID,), lambda i: (0,)),
          pl.BlockSpec((NHID,), lambda i: (0,)),
          pl.BlockSpec((NHID, NCLASS), lambda i: (0, 0)),
          pl.BlockSpec((NHID, NCLASS), lambda i: (0, 0)),
          pl.BlockSpec((NCLASS,), lambda i: (0,)),
      ],
      out_specs=[
          pl.BlockSpec((NC, BR, D2), lambda i: (0, i, 0)),
          pl.BlockSpec((BR, NCLASS), lambda i: (i, 0)),
          pl.BlockSpec((BR, 8), lambda i: (i, 0)),
      ],
      out_shape=[
          jax.ShapeDtypeStruct((NC, ACC_N, D2), jnp.float32),
          jax.ShapeDtypeStruct((ACC_N, NCLASS), jnp.float32),
          jax.ShapeDtypeStruct((ACC_N, 8), jnp.float32),
      ],
  )(p0, r0, b0, gamma, beta, wl2t, wr2t, b2)


def _stage_c(p2, r2b, inv8):
  def body(p_ref, r_ref, inv_ref, out_ref):
    psum = jnp.concatenate([p_ref[0], p_ref[1]], axis=1)
    out_ref[...] = psum * inv_ref[:, 0:1] + r_ref[...]

  return pl.pallas_call(
      body,
      grid=(ACC_N // BR,),
      in_specs=[
          pl.BlockSpec((NC, BR, D2), lambda i: (0, i, 0)),
          pl.BlockSpec((BR, NCLASS), lambda i: (i, 0)),
          pl.BlockSpec((BR, 8), lambda i: (i, 0)),
      ],
      out_specs=pl.BlockSpec((BR, NCLASS), lambda i: (i, 0)),
      out_shape=jax.ShapeDtypeStruct((ACC_N, NCLASS), jnp.float32),
  )(p2, r2b, inv8)


@jax.jit
def kernel(x, edge_index, Wl0, Wr0, b0, gamma, beta, Wl2, Wr2, b2):
  xp = jnp.pad(x, ((0, ACC_N - N), (0, 0)))
  src = jnp.concatenate(
      [edge_index[0], jnp.zeros((E_PAD - E,), jnp.int32)]).reshape(
          NS, NCHUNK, CH)
  src2 = jnp.stack([src, src + ACC_N])
  dst2 = jnp.concatenate(
      [edge_index[1], jnp.full((E_PAD - E,), N, jnp.int32)]).reshape(
          NS, NCHUNK, CH)

  ycat, r0 = _stage_a(xp, Wl0.T, Wr0.T)
  p0 = _seg_sum_l0(ycat.reshape(NC * ACC_N, D0), src2, dst2)
  y2, r2b, inv8 = _stage_b(p0, r0, b0, gamma, beta, Wl2.T, Wr2.T, b2)
  p2 = _seg_sum_l2(y2.reshape(NC * ACC_N, D2), src2, dst2)
  out = _stage_c(p2, r2b, inv8)
  return out[:N]

# --- scband reference (transcript-rebuilt; emitter-appended) ---
"""Pipeline reference for scband-graph-sage-25357486915627 (READ-ONLY COPY).

The authoritative reference and input builder live on the scoring server;
editing this copy changes nothing except your own understanding.
"""

import jax, jax.numpy as jnp
import numpy as np

N = 10000
E = 320000
NFEAT = 128
NHID = 128
NCLASS = 64
BN_EPS = 1e-5


def setup_inputs(seed: int = 0) -> dict:
    key = jax.random.key(seed)
    ks = jax.random.split(key, 12)
    x = jax.random.normal(ks[0], (N, NFEAT), dtype=jnp.float32)
    edge_index = jax.random.randint(ks[1], (2, E), 0, N, dtype=jnp.int32)
    # SAGEConv layer 0: nfeat -> nhid (lin_l for aggregated neighbors, lin_r for root)
    Wl0 = jax.random.normal(ks[2], (NHID, NFEAT), dtype=jnp.float32) * 0.05
    Wr0 = jax.random.normal(ks[3], (NHID, NFEAT), dtype=jnp.float32) * 0.05
    b0 = jnp.zeros((NHID,), dtype=jnp.float32)
    # BatchNorm1d(nhid) affine params (eval mode: running_mean=0, running_var=1)
    gamma = jnp.ones((NHID,), dtype=jnp.float32)
    beta = jnp.zeros((NHID,), dtype=jnp.float32)
    # SAGEConv last layer: nhid -> nclass
    Wl2 = jax.random.normal(ks[4], (NCLASS, NHID), dtype=jnp.float32) * 0.05
    Wr2 = jax.random.normal(ks[5], (NCLASS, NHID), dtype=jnp.float32) * 0.05
    b2 = jnp.zeros((NCLASS,), dtype=jnp.float32)
    return {"x": x, "edge_index": edge_index, "Wl0": Wl0, "Wr0": Wr0, "b0": b0,
            "gamma": gamma, "beta": beta, "Wl2": Wl2, "Wr2": Wr2, "b2": b2}


def sage_conv(x, edge_index, Wl, Wr, b):
    # PyG SAGEConv with mean aggregation, normalize=False (save_mem=True)
    src = edge_index[0]
    dst = edge_index[1]
    msg = jnp.take(x, src, axis=0)                                   # gather [E, d]
    agg = jax.ops.segment_sum(msg, dst, num_segments=x.shape[0])     # scatter-add [N, d]
    cnt = jax.ops.segment_sum(jnp.ones((edge_index.shape[1],), dtype=x.dtype), dst,
                              num_segments=x.shape[0])
    agg = agg / jnp.clip(cnt, 1.0)[:, None]                          # mean over neighbors
    return agg @ Wl.T + x @ Wr.T + b


def reference(x, edge_index, Wl0, Wr0, b0, gamma, beta, Wl2, Wr2, b2):
    # Faithful to the torch forward: the loop body returns after the first
    # iteration, so only sage_layers[0] -> BN -> relu -> dropout -> sage_layers[-1] runs.
    h = sage_conv(x, edge_index, Wl0, Wr0, b0)
    # BatchNorm1d eval mode: running_mean=0, running_var=1
    h = (h - 0.0) / jnp.sqrt(1.0 + BN_EPS) * gamma + beta
    h = jax.nn.relu(h)
    # dropout is identity in eval mode
    out = sage_conv(h, edge_index, Wl2, Wr2, b2)
    return out

if __name__ == "__main__":
    import jax
    _d = setup_inputs()
    print(jax.jit(kernel)(*tuple(_d.values())))

</pallas_src>

<mosaic_0001>
#map = affine_map<(d0, d1) -> (0, 0)>
#map1 = affine_map<(d0, d1) -> (0, 0, 0, 0)>
#map2 = affine_map<(d0, d1) -> (0, 0, 0)>
module attributes {stable_mosaic.version = 14 : i64} {
  func.func @seg_sum(%arg0: i32, %arg1: i32, %arg2: memref<20480x80xf32, #tpu.memory_space<hbm>>, %arg3: memref<2x16x158x128xi32, #tpu.memory_space<hbm>>, %arg4: memref<16x158x128xi32, #tpu.memory_space<hbm>>, %arg5: memref<2x10240x80xf32, #tpu.memory_space<hbm>>, %arg6: memref<158x128xi32, #tpu.memory_space<vmem>>, %arg7: memref<158x128xi32, #tpu.memory_space<vmem>>, %arg8: memref<128x80xf32, #tpu.memory_space<vmem>>, %arg9: memref<128x80xf32, #tpu.memory_space<vmem>>, %arg10: memref<16x80xf32, #tpu.memory_space<vmem>>, %arg11: memref<10240x80xf32, #tpu.memory_space<vmem_shared>>, %arg12: memref<!tpu.dma_semaphore, #tpu.memory_space<semaphore_mem>>, %arg13: memref<!tpu.dma_semaphore, #tpu.memory_space<semaphore_mem>>) attributes {dimension_semantics = [#tpu.dimension_semantics<core_parallel>, #tpu.dimension_semantics<subcore_parallel>], iteration_bounds = array<i64: 2, 16>, scalar_prefetch = 0 : i64, scratch_operands = 8 : i64, tpu.core_type = #tpu.core_type<sc_vector_subcore>, window_params = [{transform_indices = #map}, {transform_indices = #map1}, {transform_indices = #map2}, {transform_indices = #map2}]} {
    %broadcast_in_dim3A = arith.constant 0.000000e+00 : f32
    %broadcast_in_dim3A_0 = vector.broadcast %broadcast_in_dim3A : f32 to vector<16xf32>
    %swap3A = arith.constant 0 : i32
    %swap3A_1 = arith.index_cast %swap3A : i32 to index
    %swap3A_2 = arith.constant 0 : index
    %swap3A_3 = tpu.vector_load %arg10[%swap3A_1, %swap3A_2] {strides = array<i32>} : memref<16x80xf32, #tpu.memory_space<vmem>>, vector<16xf32>,
    tpu.vector_store %arg10[%swap3A_1, %swap3A_2], %broadcast_in_dim3A_0 {strides = array<i32>} : memref<16x80xf32, #tpu.memory_space<vmem>>, vector<16xf32>,
    %swap3A_4 = arith.constant 0 : i32
    %swap3A_5 = arith.index_cast %swap3A_4 : i32 to index
    %swap3A_6 = arith.constant 16 : index
    %swap3A_7 = tpu.vector_load %arg10[%swap3A_5, %swap3A_6] {strides = array<i32>} : memref<16x80xf32, #tpu.memory_space<vmem>>, vector<16xf32>,
    tpu.vector_store %arg10[%swap3A_5, %swap3A_6], %broadcast_in_dim3A_0 {strides = array<i32>} : memref<16x80xf32, #tpu.memory_space<vmem>>, vector<16xf32>,
    %swap3A_8 = arith.constant 0 : i32
    %swap3A_9 = arith.index_cast %swap3A_8 : i32 to index
    %swap3A_10 = arith.constant 32 : index
    %swap3A_11 = tpu.vector_load %arg10[%swap3A_9, %swap3A_10] {strides = array<i32>} : memref<16x80xf32, #tpu.memory_space<vmem>>, vector<16xf32>,
    tpu.vector_store %arg10[%swap3A_9, %swap3A_10], %broadcast_in_dim3A_0 {strides = array<i32>} : memref<16x80xf32, #tpu.memory_space<vmem>>, vector<16xf32>,
    %swap3A_12 = arith.constant 0 : i32
    %swap3A_13 = arith.index_cast %swap3A_12 : i32 to index
    %swap3A_14 = arith.constant 48 : index
    %swap3A_15 = tpu.vector_load %arg10[%swap3A_13, %swap3A_14] {strides = array<i32>} : memref<16x80xf32, #tpu.memory_space<vmem>>, vector<16xf32>,
    tpu.vector_store %arg10[%swap3A_13, %swap3A_14], %broadcast_in_dim3A_0 {strides = array<i32>} : memref<16x80xf32, #tpu.memory_space<vmem>>, vector<16xf32>,
    %swap3A_16 = arith.constant 0 : i32
    %swap3A_17 = arith.index_cast %swap3A_16 : i32 to index
    %swap3A_18 = arith.constant 64 : index
    %swap3A_19 = tpu.vector_load %arg10[%swap3A_17, %swap3A_18] {strides = array<i32>} : memref<16x80xf32, #tpu.memory_space<vmem>>, vector<16xf32>,
    tpu.vector_store %arg10[%swap3A_17, %swap3A_18], %broadcast_in_dim3A_0 {strides = array<i32>} : memref<16x80xf32, #tpu.memory_space<vmem>>, vector<16xf32>,
    %swap3A_20 = arith.constant 1 : i32
    %swap3A_21 = arith.index_cast %swap3A_20 : i32 to index
    %swap3A_22 = arith.constant 0 : index
    %swap3A_23 = tpu.vector_load %arg10[%swap3A_21, %swap3A_22] {strides = array<i32>} : memref<16x80xf32, #tpu.memory_space<vmem>>, vector<16xf32>,
    tpu.vector_store %arg10[%swap3A_21, %swap3A_22], %broadcast_in_dim3A_0 {strides = array<i32>} : memref<16x80xf32, #tpu.memory_space<vmem>>, vector<16xf32>,
    %swap3A_24 = arith.constant 1 : i32
    %swap3A_25 = arith.index_cast %swap3A_24 : i32 to index
    %swap3A_26 = arith.constant 16 : index
    %swap3A_27 = tpu.vector_load %arg10[%swap3A_25, %swap3A_26] {strides = array<i32>} : memref<16x80xf32, #tpu.memory_space<vmem>>, vector<16xf32>,
    tpu.vector_store %arg10[%swap3A_25, %swap3A_26], %broadcast_in_dim3A_0 {strides = array<i32>} : memref<16x80xf32, #tpu.memory_space<vmem>>, vector<16xf32>,
    %swap3A_28 = arith.constant 1 : i32
    %swap3A_29 = arith.index_cast %swap3A_28 : i32 to index
    %swap3A_30 = arith.constant 32 : index
    %swap3A_31 = tpu.vector_load %arg10[%swap3A_29, %swap3A_30] {strides = array<i32>} : memref<16x80xf32, #tpu.memory_space<vmem>>, vector<16xf32>,
    tpu.vector_store %arg10[%swap3A_29, %swap3A_30], %broadcast_in_dim3A_0 {strides = array<i32>} : memref<16x80xf32, #tpu.memory_space<vmem>>, vector<16xf32>,
    %swap3A_32 = arith.constant 1 : i32
    %swap3A_33 = arith.index_cast %swap3A_32 : i32 to index
    %swap3A_34 = arith.constant 48 : index
    %swap3A_35 = tpu.vector_load %arg10[%swap3A_33, %swap3A_34] {strides = array<i32>} : memref<16x80xf32, #tpu.memory_space<vmem>>, vector<16xf32>,
    tpu.vector_store %arg10[%swap3A_33, %swap3A_34], %broadcast_in_dim3A_0 {strides = array<i32>} : memref<16x80xf32, #tpu.memory_space<vmem>>, vector<16xf32>,
    %swap3A_36 = arith.constant 1 : i32
    %swap3A_37 = arith.index_cast %swap3A_36 : i32 to index
    %swap3A_38 = arith.constant 64 : index
    %swap3A_39 = tpu.vector_load %arg10[%swap3A_37, %swap3A_38] {strides = array<i32>} : memref<16x80xf32, #tpu.memory_space<vmem>>, vector<16xf32>,
    tpu.vector_store %arg10[%swap3A_37, %swap3A_38], %broadcast_in_dim3A_0 {strides = array<i32>} : memref<16x80xf32, #tpu.memory_space<vmem>>, vector<16xf32>,
    %swap3A_40 = arith.constant 2 : i32
    %swap3A_41 = arith.index_cast %swap3A_40 : i32 to index
    %swap3A_42 = arith.constant 0 : index
    %swap3A_43 = tpu.vector_load %arg10[%swap3A_41, %swap3A_42] {strides = array<i32>} : memref<16x80xf32, #tpu.memory_space<vmem>>, vector<16xf32>,
    tpu.vector_store %arg10[%swap3A_41, %swap3A_42], %broadcast_in_dim3A_0 {strides = array<i32>} : memref<16x80xf32, #tpu.memory_space<vmem>>, vector<16xf32>,
    %swap3A_44 = arith.constant 2 : i32
    %swap3A_45 = arith.index_cast %swap3A_44 : i32 to index
    %swap3A_46 = arith.constant 16 : index
    %swap3A_47 = tpu.vector_load %arg10[%swap3A_45, %swap3A_46] {strides = array<i32>} : memref<16x80xf32, #tpu.memory_space<vmem>>, vector<16xf32>,
    tpu.vector_store %arg10[%swap3A_45, %swap3A_46], %broadcast_in_dim3A_0 {strides = array<i32>} : memref<16x80xf32, #tpu.memory_space<vmem>>, vector<16xf32>,
    %swap3A_48 = arith.constant 2 : i32
    %swap3A_49 = arith.index_cast %swap3A_48 : i32 to index
    %swap3A_50 = arith.constant 32 : index
    %swap3A_51 = tpu.vector_load %arg10[%swap3A_49, %swap3A_50] {strides = array<i32>} : memref<16x80xf32, #tpu.memory_space<vmem>>, vector<16xf32>,
    tpu.vector_store %arg10[%swap3A_49, %swap3A_50], %broadcast_in_dim3A_0 {strides = array<i32>} : memref<16x80xf32, #tpu.memory_space<vmem>>, vector<16xf32>,
    %swap3A_52 = arith.constant 2 : i32
    %swap3A_53 = arith.index_cast %swap3A_52 : i32 to index
    %swap3A_54 = arith.constant 48 : index
    %swap3A_55 = tpu.vector_load %arg10[%swap3A_53, %swap3A_54] {strides = array<i32>} : memref<16x80xf32, #tpu.memory_space<vmem>>, vector<16xf32>,
    tpu.vector_store %arg10[%swap3A_53, %swap3A_54], %broadcast_in_dim3A_0 {strides = array<i32>} : memref<16x80xf32, #tpu.memory_space<vmem>>, vector<16xf32>,
    %swap3A_56 = arith.constant 2 : i32
    %swap3A_57 = arith.index_cast %swap3A_56 : i32 to index
    %swap3A_58 = arith.constant 64 : index
    %swap3A_59 = tpu.vector_load %arg10[%swap3A_57, %swap3A_58] {strides = array<i32>} : memref<16x80xf32, #tpu.memory_space<vmem>>, vector<16xf32>,
    tpu.vector_store %arg10[%swap3A_57, %swap3A_58], %broadcast_in_dim3A_0 {strides = array<i32>} : memref<16x80xf32, #tpu.memory_space<vmem>>, vector<16xf32>,
    %swap3A_60 = arith.constant 3 : i32
    %swap3A_61 = arith.index_cast %swap3A_60 : i32 to index
    %swap3A_62 = arith.constant 0 : index
    %swap3A_63 = tpu.vector_load %arg10[%swap3A_61, %swap3A_62] {strides = array<i32>} : memref<16x80xf32, #tpu.memory_space<vmem>>, vector<16xf32>,
    tpu.vector_store %arg10[%swap3A_61, %swap3A_62], %broadcast_in_dim3A_0 {strides = array<i32>} : memref<16x80xf32, #tpu.memory_space<vmem>>, vector<16xf32>,
    %swap3A_64 = arith.constant 3 : i32
    %swap3A_65 = arith.index_cast %swap3A_64 : i32 to index
    %swap3A_66 = arith.constant 16 : index
    %swap3A_67 = tpu.vector_load %arg10[%swap3A_65, %swap3A_66] {strides = array<i32>} : memref<16x80xf32, #tpu.memory_space<vmem>>, vector<16xf32>,
    tpu.vector_store %arg10[%swap3A_65, %swap3A_66], %broadcast_in_dim3A_0 {strides = array<i32>} : memref<16x80xf32, #tpu.memory_space<vmem>>, vector<16xf32>,
    %swap3A_68 = arith.constant 3 : i32
    %swap3A_69 = arith.index_cast %swap3A_68 : i32 to index
    %swap3A_70 = arith.constant 32 : index
    %swap3A_71 = tpu.vector_load %arg10[%swap3A_69, %swap3A_70] {strides = array<i32>} : memref<16x80xf32, #tpu.memory_space<vmem>>, vector<16xf32>,
    tpu.vector_store %arg10[%swap3A_69, %swap3A_70], %broadcast_in_dim3A_0 {strides = array<i32>} : memref<16x80xf32, #tpu.memory_space<vmem>>, vector<16xf32>,
    %swap3A_72 = arith.constant 3 : i32
    %swap3A_73 = arith.index_cast %swap3A_72 : i32 to index
    %swap3A_74 = arith.constant 48 : index
    %swap3A_75 = tpu.vector_load %arg10[%swap3A_73, %swap3A_74] {strides = array<i32>} : memref<16x80xf32, #tpu.memory_space<vmem>>, vector<16xf32>,
    tpu.vector_store %arg10[%swap3A_73, %swap3A_74], %broadcast_in_dim3A_0 {strides = array<i32>} : memref<16x80xf32, #tpu.memory_space<vmem>>, vector<16xf32>,
    %swap3A_76 = arith.constant 3 : i32
    %swap3A_77 = arith.index_cast %swap3A_76 : i32 to index
    %swap3A_78 = arith.constant 64 : index
    %swap3A_79 = tpu.vector_load %arg10[%swap3A_77, %swap3A_78] {strides = array<i32>} : memref<16x80xf32, #tpu.memory_space<vmem>>, vector<16xf32>,
    tpu.vector_store %arg10[%swap3A_77, %swap3A_78], %broadcast_in_dim3A_0 {strides = array<i32>} : memref<16x80xf32, #tpu.memory_space<vmem>>, vector<16xf32>,
    %swap3A_80 = arith.constant 4 : i32
    %swap3A_81 = arith.index_cast %swap3A_80 : i32 to index
    %swap3A_82 = arith.constant 0 : index
    %swap3A_83 = tpu.vector_load %arg10[%swap3A_81, %swap3A_82] {strides = array<i32>} : memref<16x80xf32, #tpu.memory_space<vmem>>, vector<16xf32>,
    tpu.vector_store %arg10[%swap3A_81, %swap3A_82], %broadcast_in_dim3A_0 {strides = array<i32>} : memref<16x80xf32, #tpu.memory_space<vmem>>, vector<16xf32>,
    %swap3A_84 = arith.constant 4 : i32
    %swap3A_85 = arith.index_cast %swap3A_84 : i32 to index
    %swap3A_86 = arith.constant 16 : index
    %swap3A_87 = tpu.vector_load %arg10[%swap3A_85, %swap3A_86] {strides = array<i32>} : memref<16x80xf32, #tpu.memory_space<vmem>>, vector<16xf32>,
    tpu.vector_store %arg10[%swap3A_85, %swap3A_86], %broadcast_in_dim3A_0 {strides = array<i32>} : memref<16x80xf32, #tpu.memory_space<vmem>>, vector<16xf32>,
    %swap3A_88 = arith.constant 4 : i32
    %swap3A_89 = arith.index_cast %swap3A_88 : i32 to index
    %swap3A_90 = arith.constant 32 : index
    %swap3A_91 = tpu.vector_load %arg10[%swap3A_89, %swap3A_90] {strides = array<i32>} : memref<16x80xf32, #tpu.memory_space<vmem>>, vector<16xf32>,
    tpu.vector_store %arg10[%swap3A_89, %swap3A_90], %broadcast_in_dim3A_0 {strides = array<i32>} : memref<16x80xf32, #tpu.memory_space<vmem>>, vector<16xf32>,
    %swap3A_92 = arith.constant 4 : i32
    %swap3A_93 = arith.index_cast %swap3A_92 : i32 to index
    %swap3A_94 = arith.constant 48 : index
    %swap3A_95 = tpu.vector_load %arg10[%swap3A_93, %swap3A_94] {strides = array<i32>} : memref<16x80xf32, #tpu.memory_space<vmem>>, vector<16xf32>,
    tpu.vector_store %arg10[%swap3A_93, %swap3A_94], %broadcast_in_dim3A_0 {strides = array<i32>} : memref<16x80xf32, #tpu.memory_space<vmem>>, vector<16xf32>,
    %swap3A_96 = arith.constant 4 : i32
    %swap3A_97 = arith.index_cast %swap3A_96 : i32 to index
    %swap3A_98 = arith.constant 64 : index
    %swap3A_99 = tpu.vector_load %arg10[%swap3A_97, %swap3A_98] {strides = array<i32>} : memref<16x80xf32, #tpu.memory_space<vmem>>, vector<16xf32>,
    tpu.vector_store %arg10[%swap3A_97, %swap3A_98], %broadcast_in_dim3A_0 {strides = array<i32>} : memref<16x80xf32, #tpu.memory_space<vmem>>, vector<16xf32>,
    %swap3A_100 = arith.constant 5 : i32
    %swap3A_101 = arith.index_cast %swap3A_100 : i32 to index
    %swap3A_102 = arith.constant 0 : index
    %swap3A_103 = tpu.vector_load %arg10[%swap3A_101, %swap3A_102] {strides = array<i32>} : memref<16x80xf32, #tpu.memory_space<vmem>>, vector<16xf32>,
    tpu.vector_store %arg10[%swap3A_101, %swap3A_102], %broadcast_in_dim3A_0 {strides = array<i32>} : memref<16x80xf32, #tpu.memory_space<vmem>>, vector<16xf32>,
    %swap3A_104 = arith.constant 5 : i32
    %swap3A_105 = arith.index_cast %swap3A_104 : i32 to index
    %swap3A_106 = arith.constant 16 : index
    %swap3A_107 = tpu.vector_load %arg10[%swap3A_105, %swap3A_106] {strides = array<i32>} : memref<16x80xf32, #tpu.memory_space<vmem>>, vector<16xf32>,
    tpu.vector_store %arg10[%swap3A_105, %swap3A_106], %broadcast_in_dim3A_0 {strides = array<i32>} : memref<16x80xf32, #tpu.memory_space<vmem>>, vector<16xf32>,
    %swap3A_108 = arith.constant 5 : i32
    %swap3A_109 = arith.index_cast %swap3A_108 : i32 to index
    %swap3A_110 = arith.constant 32 : index
    %swap3A_111 = tpu.vector_load %arg10[%swap3A_109, %swap3A_110] {strides = array<i32>} : memref<16x80xf32, #tpu.memory_space<vmem>>, vector<16xf32>,
    tpu.vector_store %arg10[%swap3A_109, %swap3A_110], %broadcast_in_dim3A_0 {strides = array<i32>} : memref<16x80xf32, #tpu.memory_space<vmem>>, vector<16xf32>,
    %swap3A_112 = arith.constant 5 : i32
    %swap3A_113 = arith.index_cast %swap3A_112 : i32 to index
    %swap3A_114 = arith.constant 48 : index
    %swap3A_115 = tpu.vector_load %arg10[%swap3A_113, %swap3A_114] {strides = array<i32>} : memref<16x80xf32, #tpu.memory_space<vmem>>, vector<16xf32>,
    tpu.vector_store %arg10[%swap3A_113, %swap3A_114], %broadcast_in_dim3A_0 {strides = array<i32>} : memref<16x80xf32, #tpu.memory_space<vmem>>, vector<16xf32>,
    %swap3A_116 = arith.constant 5 : i32
    %swap3A_117 = arith.index_cast %swap3A_116 : i32 to index
    %swap3A_118 = arith.constant 64 : index
    %swap3A_119 = tpu.vector_load %arg10[%swap3A_117, %swap3A_118] {strides = array<i32>} : memref<16x80xf32, #tpu.memory_space<vmem>>, vector<16xf32>,
    tpu.vector_store %arg10[%swap3A_117, %swap3A_118], %broadcast_in_dim3A_0 {strides = array<i32>} : memref<16x80xf32, #tpu.memory_space<vmem>>, vector<16xf32>,
    %swap3A_120 = arith.constant 6 : i32
    %swap3A_121 = arith.index_cast %swap3A_120 : i32 to index
    %swap3A_122 = arith.constant 0 : index
    %swap3A_123 = tpu.vector_load %arg10[%swap3A_121, %swap3A_122] {strides = array<i32>} : memref<16x80xf32, #tpu.memory_space<vmem>>, vector<16xf32>,
    tpu.vector_store %arg10[%swap3A_121, %swap3A_122], %broadcast_in_dim3A_0 {strides = array<i32>} : memref<16x80xf32, #tpu.memory_space<vmem>>, vector<16xf32>,
    %swap3A_124 = arith.constant 6 : i32
    %swap3A_125 = arith.index_cast %swap3A_124 : i32 to index
    %swap3A_126 = arith.constant 16 : index
    %swap3A_127 = tpu.vector_load %arg10[%swap3A_125, %swap3A_126] {strides = array<i32>} : memref<16x80xf32, #tpu.memory_space<vmem>>, vector<16xf32>,
    tpu.vector_store %arg10[%swap3A_125, %swap3A_126], %broadcast_in_dim3A_0 {strides = array<i32>} : memref<16x80xf32, #tpu.memory_space<vmem>>, vector<16xf32>,
    %swap3A_128 = arith.constant 6 : i32
    %swap3A_129 = arith.index_cast %swap3A_128 : i32 to index
    %swap3A_130 = arith.constant 32 : index
    %swap3A_131 = tpu.vector_load %arg10[%swap3A_129, %swap3A_130] {strides = array<i32>} : memref<16x80xf32, #tpu.memory_space<vmem>>, vector<16xf32>,
    tpu.vector_store %arg10[%swap3A_129, %swap3A_130], %broadcast_in_dim3A_0 {strides = array<i32>} : memref<16x80xf32, #tpu.memory_space<vmem>>, vector<16xf32>,
    %swap3A_132 = arith.constant 6 : i32
    %swap3A_133 = arith.index_cast %swap3A_132 : i32 to index
    %swap3A_134 = arith.constant 48 : index
    %swap3A_135 = tpu.vector_load %arg10[%swap3A_133, %swap3A_134] {strides = array<i32>} : memref<16x80xf32, #tpu.memory_space<vmem>>, vector<16xf32>,
    tpu.vector_store %arg10[%swap3A_133, %swap3A_134], %broadcast_in_dim3A_0 {strides = array<i32>} : memref<16x80xf32, #tpu.memory_space<vmem>>, vector<16xf32>,
    %swap3A_136 = arith.constant 6 : i32
    %swap3A_137 = arith.index_cast %swap3A_136 : i32 to index
    %swap3A_138 = arith.constant 64 : index
    %swap3A_139 = tpu.vector_load %arg10[%swap3A_137, %swap3A_138] {strides = array<i32>} : memref<16x80xf32, #tpu.memory_space<vmem>>, vector<16xf32>,
    tpu.vector_store %arg10[%swap3A_137, %swap3A_138], %broadcast_in_dim3A_0 {strides = array<i32>} : memref<16x80xf32, #tpu.memory_space<vmem>>, vector<16xf32>,
    %swap3A_140 = arith.constant 7 : i32
    %swap3A_141 = arith.index_cast %swap3A_140 : i32 to index
    %swap3A_142 = arith.constant 0 : index
    %swap3A_143 = tpu.vector_load %arg10[%swap3A_141, %swap3A_142] {strides = array<i32>} : memref<16x80xf32, #tpu.memory_space<vmem>>, vector<16xf32>,
    tpu.vector_store %arg10[%swap3A_141, %swap3A_142], %broadcast_in_dim3A_0 {strides = array<i32>} : memref<16x80xf32, #tpu.memory_space<vmem>>, vector<16xf32>,
    %swap3A_144 = arith.constant 7 : i32
    %swap3A_145 = arith.index_cast %swap3A_144 : i32 to index
    %swap3A_146 = arith.constant 16 : index
    %swap3A_147 = tpu.vector_load %arg10[%swap3A_145, %swap3A_146] {strides = array<i32>} : memref<16x80xf32, #tpu.memory_space<vmem>>, vector<16xf32>,
    tpu.vector_store %arg10[%swap3A_145, %swap3A_146], %broadcast_in_dim3A_0 {strides = array<i32>} : memref<16x80xf32, #tpu.memory_space<vmem>>, vector<16xf32>,
    %swap3A_148 = arith.constant 7 : i32
    %swap3A_149 = arith.index_cast %swap3A_148 : i32 to index
    %swap3A_150 = arith.constant 32 : index
    %swap3A_151 = tpu.vector_load %arg10[%swap3A_149, %swap3A_150] {strides = array<i32>} : memref<16x80xf32, #tpu.memory_space<vmem>>, vector<16xf32>,
    tpu.vector_store %arg10[%swap3A_149, %swap3A_150], %broadcast_in_dim3A_0 {strides = array<i32>} : memref<16x80xf32, #tpu.memory_space<vmem>>, vector<16xf32>,
    %swap3A_152 = arith.constant 7 : i32
    %swap3A_153 = arith.index_cast %swap3A_152 : i32 to index
    %swap3A_154 = arith.constant 48 : index
    %swap3A_155 = tpu.vector_load %arg10[%swap3A_153, %swap3A_154] {strides = array<i32>} : memref<16x80xf32, #tpu.memory_space<vmem>>, vector<16xf32>,
    tpu.vector_store %arg10[%swap3A_153, %swap3A_154], %broadcast_in_dim3A_0 {strides = array<i32>} : memref<16x80xf32, #tpu.memory_space<vmem>>, vector<16xf32>,
    %swap3A_156 = arith.constant 7 : i32
    %swap3A_157 = arith.index_cast %swap3A_156 : i32 to index
    %swap3A_158 = arith.constant 64 : index
    %swap3A_159 = tpu.vector_load %arg10[%swap3A_157, %swap3A_158] {strides = array<i32>} : memref<16x80xf32, #tpu.memory_space<vmem>>, vector<16xf32>,
    tpu.vector_store %arg10[%swap3A_157, %swap3A_158], %broadcast_in_dim3A_0 {strides = array<i32>} : memref<16x80xf32, #tpu.memory_space<vmem>>, vector<16xf32>,
    %swap3A_160 = arith.constant 8 : i32
    %swap3A_161 = arith.index_cast %swap3A_160 : i32 to index
    %swap3A_162 = arith.constant 0 : index
    %swap3A_163 = tpu.vector_load %arg10[%swap3A_161, %swap3A_162] {strides = array<i32>} : memref<16x80xf32, #tpu.memory_space<vmem>>, vector<16xf32>,
    tpu.vector_store %arg10[%swap3A_161, %swap3A_162], %broadcast_in_dim3A_0 {strides = array<i32>} : memref<16x80xf32, #tpu.memory_space<vmem>>, vector<16xf32>,
    %swap3A_164 = arith.constant 8 : i32
    %swap3A_165 = arith.index_cast %swap3A_164 : i32 to index
    %swap3A_166 = arith.constant 16 : index
    %swap3A_167 = tpu.vector_load %arg10[%swap3A_165, %swap3A_166] {strides = array<i32>} : memref<16x80xf32, #tpu.memory_space<vmem>>, vector<16xf32>,
    tpu.vector_store %arg10[%swap3A_165, %swap3A_166], %broadcast_in_dim3A_0 {strides = array<i32>} : memref<16x80xf32, #tpu.memory_space<vmem>>, vector<16xf32>,
    %swap3A_168 = arith.constant 8 : i32
    %swap3A_169 = arith.index_cast %swap3A_168 : i32 to index
    %swap3A_170 = arith.constant 32 : index
    %swap3A_171 = tpu.vector_load %arg10[%swap3A_169, %swap3A_170] {strides = array<i32>} : memref<16x80xf32, #tpu.memory_space<vmem>>, vector<16xf32>,
    tpu.vector_store %arg10[%swap3A_169, %swap3A_170], %broadcast_in_dim3A_0 {strides = array<i32>} : memref<16x80xf32, #tpu.memory_space<vmem>>, vector<16xf32>,
    %swap3A_172 = arith.constant 8 : i32
    %swap3A_173 = arith.index_cast %swap3A_172 : i32 to index
    %swap3A_174 = arith.constant 48 : index
    %swap3A_175 = tpu.vector_load %arg10[%swap3A_173, %swap3A_174] {strides = array<i32>} : memref<16x80xf32, #tpu.memory_space<vmem>>, vector<16xf32>,
    tpu.vector_store %arg10[%swap3A_173, %swap3A_174], %broadcast_in_dim3A_0 {strides = array<i32>} : memref<16x80xf32, #tpu.memory_space<vmem>>, vector<16xf32>,
    %swap3A_176 = arith.constant 8 : i32
    %swap3A_177 = arith.index_cast %swap3A_176 : i32 to index
    %swap3A_178 = arith.constant 64 : index
    %swap3A_179 = tpu.vector_load %arg10[%swap3A_177, %swap3A_178] {strides = array<i32>} : memref<16x80xf32, #tpu.memory_space<vmem>>, vector<16xf32>,
    tpu.vector_store %arg10[%swap3A_177, %swap3A_178], %broadcast_in_dim3A_0 {strides = array<i32>} : memref<16x80xf32, #tpu.memory_space<vmem>>, vector<16xf32>,
    %swap3A_180 = arith.constant 9 : i32
    %swap3A_181 = arith.index_cast %swap3A_180 : i32 to index
    %swap3A_182 = arith.constant 0 : index
    %swap3A_183 = tpu.vector_load %arg10[%swap3A_181, %swap3A_182] {strides = array<i32>} : memref<16x80xf32, #tpu.memory_space<vmem>>, vector<16xf32>,
    tpu.vector_store %arg10[%swap3A_181, %swap3A_182], %broadcast_in_dim3A_0 {strides = array<i32>} : memref<16x80xf32, #tpu.memory_space<vmem>>, vector<16xf32>,
    %swap3A_184 = arith.constant 9 : i32
    %swap3A_185 = arith.index_cast %swap3A_184 : i32 to index
    %swap3A_186 = arith.constant 16 : index
    %swap3A_187 = tpu.vector_load %arg10[%swap3A_185, %swap3A_186] {strides = array<i32>} : memref<16x80xf32, #tpu.memory_space<vmem>>, vector<16xf32>,
    tpu.vector_store %arg10[%swap3A_185, %swap3A_186], %broadcast_in_dim3A_0 {strides = array<i32>} : memref<16x80xf32, #tpu.memory_space<vmem>>, vector<16xf32>,
    %swap3A_188 = arith.constant 9 : i32
    %swap3A_189 = arith.index_cast %swap3A_188 : i32 to index
    %swap3A_190 = arith.constant 32 : index
    %swap3A_191 = tpu.vector_load %arg10[%swap3A_189, %swap3A_190] {strides = array<i32>} : memref<16x80xf32, #tpu.memory_space<vmem>>, vector<16xf32>,
    tpu.vector_store %arg10[%swap3A_189, %swap3A_190], %broadcast_in_dim3A_0 {strides = array<i32>} : memref<16x80xf32, #tpu.memory_space<vmem>>, vector<16xf32>,
    %swap3A_192 = arith.constant 9 : i32
    %swap3A_193 = arith.index_cast %swap3A_192 : i32 to index
    %swap3A_194 = arith.constant 48 : index
    %swap3A_195 = tpu.vector_load %arg10[%swap3A_193, %swap3A_194] {strides = array<i32>} : memref<16x80xf32, #tpu.memory_space<vmem>>, vector<16xf32>,
    tpu.vector_store %arg10[%swap3A_193, %swap3A_194], %broadcast_in_dim3A_0 {strides = array<i32>} : memref<16x80xf32, #tpu.memory_space<vmem>>, vector<16xf32>,
    %swap3A_196 = arith.constant 9 : i32
    %swap3A_197 = arith.index_cast %swap3A_196 : i32 to index
    %swap3A_198 = arith.constant 64 : index
    %swap3A_199 = tpu.vector_load %arg10[%swap3A_197, %swap3A_198] {strides = array<i32>} : memref<16x80xf32, #tpu.memory_space<vmem>>, vector<16xf32>,
    tpu.vector_store %arg10[%swap3A_197, %swap3A_198], %broadcast_in_dim3A_0 {strides = array<i32>} : memref<16x80xf32, #tpu.memory_space<vmem>>, vector<16xf32>,
    %swap3A_200 = arith.constant 10 : i32
    %swap3A_201 = arith.index_cast %swap3A_200 : i32 to index
    %swap3A_202 = arith.constant 0 : index
    %swap3A_203 = tpu.vector_load %arg10[%swap3A_201, %swap3A_202] {strides = array<i32>} : memref<16x80xf32, #tpu.memory_space<vmem>>, vector<16xf32>,
    tpu.vector_store %arg10[%swap3A_201, %swap3A_202], %broadcast_in_dim3A_0 {strides = array<i32>} : memref<16x80xf32, #tpu.memory_space<vmem>>, vector<16xf32>,
    %swap3A_204 = arith.constant 10 : i32
    %swap3A_205 = arith.index_cast %swap3A_204 : i32 to index
    %swap3A_206 = arith.constant 16 : index
    %swap3A_207 = tpu.vector_load %arg10[%swap3A_205, %swap3A_206] {strides = array<i32>} : memref<16x80xf32, #tpu.memory_space<vmem>>, vector<16xf32>,
    tpu.vector_store %arg10[%swap3A_205, %swap3A_206], %broadcast_in_dim3A_0 {strides = array<i32>} : memref<16x80xf32, #tpu.memory_space<vmem>>, vector<16xf32>,
    %swap3A_208 = arith.constant 10 : i32
    %swap3A_209 = arith.index_cast %swap3A_208 : i32 to index
    %swap3A_210 = arith.constant 32 : index
    %swap3A_211 = tpu.vector_load %arg10[%swap3A_209, %swap3A_210] {strides = array<i32>} : memref<16x80xf32, #tpu.memory_space<vmem>>, vector<16xf32>,
    tpu.vector_store %arg10[%swap3A_209, %swap3A_210], %broadcast_in_dim3A_0 {strides = array<i32>} : memref<16x80xf32, #tpu.memory_space<vmem>>, vector<16xf32>,
    %swap3A_212 = arith.constant 10 : i32
    %swap3A_213 = arith.index_cast %swap3A_212 : i32 to index
    %swap3A_214 = arith.constant 48 : index
    %swap3A_215 = tpu.vector_load %arg10[%swap3A_213, %swap3A_214] {strides = array<i32>} : memref<16x80xf32, #tpu.memory_space<vmem>>, vector<16xf32>,
    tpu.vector_store %arg10[%swap3A_213, %swap3A_214], %broadcast_in_dim3A_0 {strides = array<i32>} : memref<16x80xf32, #tpu.memory_space<vmem>>, vector<16xf32>,
    %swap3A_216 = arith.constant 10 : i32
    %swap3A_217 = arith.index_cast %swap3A_216 : i32 to index
    %swap3A_218 = arith.constant 64 : index
    %swap3A_219 = tpu.vector_load %arg10[%swap3A_217, %swap3A_218] {strides = array<i32>} : memref<16x80xf32, #tpu.memory_space<vmem>>, vector<16xf32>,
    tpu.vector_store %arg10[%swap3A_217, %swap3A_218], %broadcast_in_dim3A_0 {strides = array<i32>} : memref<16x80xf32, #tpu.memory_space<vmem>>, vector<16xf32>,
    %swap3A_220 = arith.constant 11 : i32
    %swap3A_221 = arith.index_cast %swap3A_220 : i32 to index
    %swap3A_222 = arith.constant 0 : index
    %swap3A_223 = tpu.vector_load %arg10[%swap3A_221, %swap3A_222] {strides = array<i32>} : memref<16x80xf32, #tpu.memory_space<vmem>>, vector<16xf32>,
    tpu.vector_store %arg10[%swap3A_221, %swap3A_222], %broadcast_in_dim3A_0 {strides = array<i32>} : memref<16x80xf32, #tpu.memory_space<vmem>>, vector<16xf32>,
    %swap3A_224 = arith.constant 11 : i32
    %swap3A_225 = arith.index_cast %swap3A_224 : i32 to index
    %swap3A_226 = arith.constant 16 : index
    %swap3A_227 = tpu.vector_load %arg10[%swap3A_225, %swap3A_226] {strides = array<i32>} : memref<16x80xf32, #tpu.memory_space<vmem>>, vector<16xf32>,
    tpu.vector_store %arg10[%swap3A_225, %swap3A_226], %broadcast_in_dim3A_0 {strides = array<i32>} : memref<16x80xf32, #tpu.memory_space<vmem>>, vector<16xf32>,
    %swap3A_228 = arith.constant 11 : i32
    %swap3A_229 = arith.index_cast %swap3A_228 : i32 to index
    %swap3A_230 = arith.constant 32 : index
    %swap3A_231 = tpu.vector_load %arg10[%swap3A_229, %swap3A_230] {strides = array<i32>} : memref<16x80xf32, #tpu.memory_space<vmem>>, vector<16xf32>,
    tpu.vector_store %arg10[%swap3A_229, %swap3A_230], %broadcast_in_dim3A_0 {strides = array<i32>} : memref<16x80xf32, #tpu.memory_space<vmem>>, vector<16xf32>,
    %swap3A_232 = arith.constant 11 : i32
    %swap3A_233 = arith.index_cast %swap3A_232 : i32 to index
    %swap3A_234 = arith.constant 48 : index
    %swap3A_235 = tpu.vector_load %arg10[%swap3A_233, %swap3A_234] {strides = array<i32>} : memref<16x80xf32, #tpu.memory_space<vmem>>, vector<16xf32>,
    tpu.vector_store %arg10[%swap3A_233, %swap3A_234], %broadcast_in_dim3A_0 {strides = array<i32>} : memref<16x80xf32, #tpu.memory_space<vmem>>, vector<16xf32>,
    %swap3A_236 = arith.constant 11 : i32
    %swap3A_237 = arith.index_cast %swap3A_236 : i32 to index
    %swap3A_238 = arith.constant 64 : index
    %swap3A_239 = tpu.vector_load %arg10[%swap3A_237, %swap3A_238] {strides = array<i32>} : memref<16x80xf32, #tpu.memory_space<vmem>>, vector<16xf32>,
    tpu.vector_store %arg10[%swap3A_237, %swap3A_238], %broadcast_in_dim3A_0 {strides = array<i32>} : memref<16x80xf32, #tpu.memory_space<vmem>>, vector<16xf32>,
    %swap3A_240 = arith.constant 12 : i32
    %swap3A_241 = arith.index_cast %swap3A_240 : i32 to index
    %swap3A_242 = arith.constant 0 : index
    %swap3A_243 = tpu.vector_load %arg10[%swap3A_241, %swap3A_242] {strides = array<i32>} : memref<16x80xf32, #tpu.memory_space<vmem>>, vector<16xf32>,
    tpu.vector_store %arg10[%swap3A_241, %swap3A_242], %broadcast_in_dim3A_0 {strides = array<i32>} : memref<16x80xf32, #tpu.memory_space<vmem>>, vector<16xf32>,
    %swap3A_244 = arith.constant 12 : i32
    %swap3A_245 = arith.index_cast %swap3A_244 : i32 to index
    %swap3A_246 = arith.constant 16 : index
    %swap3A_247 = tpu.vector_load %arg10[%swap3A_245, %swap3A_246] {strides = array<i32>} : memref<16x80xf32, #tpu.memory_space<vmem>>, vector<16xf32>,
    tpu.vector_store %arg10[%swap3A_245, %swap3A_246], %broadcast_in_dim3A_0 {strides = array<i32>} : memref<16x80xf32, #tpu.memory_space<vmem>>, vector<16xf32>,
    %swap3A_248 = arith.constant 12 : i32
    %swap3A_249 = arith.index_cast %swap3A_248 : i32 to index
    %swap3A_250 = arith.constant 32 : index
    %swap3A_251 = tpu.vector_load %arg10[%swap3A_249, %swap3A_250] {strides = array<i32>} : memref<16x80xf32, #tpu.memory_space<vmem>>, vector<16xf32>,
    tpu.vector_store %arg10[%swap3A_249, %swap3A_250], %broadcast_in_dim3A_0 {strides = array<i32>} : memref<16x80xf32, #tpu.memory_space<vmem>>, vector<16xf32>,
    %swap3A_252 = arith.constant 12 : i32
    %swap3A_253 = arith.index_cast %swap3A_252 : i32 to index
    %swap3A_254 = arith.constant 48 : index
    %swap3A_255 = tpu.vector_load %arg10[%swap3A_253, %swap3A_254] {strides = array<i32>} : memref<16x80xf32, #tpu.memory_space<vmem>>, vector<16xf32>,
    tpu.vector_store %arg10[%swap3A_253, %swap3A_254], %broadcast_in_dim3A_0 {strides = array<i32>} : memref<16x80xf32, #tpu.memory_space<vmem>>, vector<16xf32>,
    %swap3A_256 = arith.constant 12 : i32
    %swap3A_257 = arith.index_cast %swap3A_256 : i32 to index
    %swap3A_258 = arith.constant 64 : index
    %swap3A_259 = tpu.vector_load %arg10[%swap3A_257, %swap3A_258] {strides = array<i32>} : memref<16x80xf32, #tpu.memory_space<vmem>>, vector<16xf32>,
    tpu.vector_store %arg10[%swap3A_257, %swap3A_258], %broadcast_in_dim3A_0 {strides = array<i32>} : memref<16x80xf32, #tpu.memory_space<vmem>>, vector<16xf32>,
    %swap3A_260 = arith.constant 13 : i32
    %swap3A_261 = arith.index_cast %swap3A_260 : i32 to index
    %swap3A_262 = arith.constant 0 : index
    %swap3A_263 = tpu.vector_load %arg10[%swap3A_261, %swap3A_262] {strides = array<i32>} : memref<16x80xf32, #tpu.memory_space<vmem>>, vector<16xf32>,
    tpu.vector_store %arg10[%swap3A_261, %swap3A_262], %broadcast_in_dim3A_0 {strides = array<i32>} : memref<16x80xf32, #tpu.memory_space<vmem>>, vector<16xf32>,
    %swap3A_264 = arith.constant 13 : i32
    %swap3A_265 = arith.index_cast %swap3A_264 : i32 to index
    %swap3A_266 = arith.constant 16 : index
    %swap3A_267 = tpu.vector_load %arg10[%swap3A_265, %swap3A_266] {strides = array<i32>} : memref<16x80xf32, #tpu.memory_space<vmem>>, vector<16xf32>,
    tpu.vector_store %arg10[%swap3A_265, %swap3A_266], %broadcast_in_dim3A_0 {strides = array<i32>} : memref<16x80xf32, #tpu.memory_space<vmem>>, vector<16xf32>,
    %swap3A_268 = arith.constant 13 : i32
    %swap3A_269 = arith.index_cast %swap3A_268 : i32 to index
    %swap3A_270 = arith.constant 32 : index
    %swap3A_271 = tpu.vector_load %arg10[%swap3A_269, %swap3A_270] {strides = array<i32>} : memref<16x80xf32, #tpu.memory_space<vmem>>, vector<16xf32>,
    tpu.vector_store %arg10[%swap3A_269, %swap3A_270], %broadcast_in_dim3A_0 {strides = array<i32>} : memref<16x80xf32, #tpu.memory_space<vmem>>, vector<16xf32>,
    %swap3A_272 = arith.constant 13 : i32
    %swap3A_273 = arith.index_cast %swap3A_272 : i32 to index
    %swap3A_274 = arith.constant 48 : index
    %swap3A_275 = tpu.vector_load %arg10[%swap3A_273, %swap3A_274] {strides = array<i32>} : memref<16x80xf32, #tpu.memory_space<vmem>>, vector<16xf32>,
    tpu.vector_store %arg10[%swap3A_273, %swap3A_274], %broadcast_in_dim3A_0 {strides = array<i32>} : memref<16x80xf32, #tpu.memory_space<vmem>>, vector<16xf32>,
    %swap3A_276 = arith.constant 13 : i32
    %swap3A_277 = arith.index_cast %swap3A_276 : i32 to index
    %swap3A_278 = arith.constant 64 : index
    %swap3A_279 = tpu.vector_load %arg10[%swap3A_277, %swap3A_278] {strides = array<i32>} : memref<16x80xf32, #tpu.memory_space<vmem>>, vector<16xf32>,
    tpu.vector_store %arg10[%swap3A_277, %swap3A_278], %broadcast_in_dim3A_0 {strides = array<i32>} : memref<16x80xf32, #tpu.memory_space<vmem>>, vector<16xf32>,
    %swap3A_280 = arith.constant 14 : i32
    %swap3A_281 = arith.index_cast %swap3A_280 : i32 to index
    %swap3A_282 = arith.constant 0 : index
    %swap3A_283 = tpu.vector_load %arg10[%swap3A_281, %swap3A_282] {strides = array<i32>} : memref<16x80xf32, #tpu.memory_space<vmem>>, vector<16xf32>,
    tpu.vector_store %arg10[%swap3A_281, %swap3A_282], %broadcast_in_dim3A_0 {strides = array<i32>} : memref<16x80xf32, #tpu.memory_space<vmem>>, vector<16xf32>,
    %swap3A_284 = arith.constant 14 : i32
    %swap3A_285 = arith.index_cast %swap3A_284 : i32 to index
    %swap3A_286 = arith.constant 16 : index
    %swap3A_287 = tpu.vector_load %arg10[%swap3A_285, %swap3A_286] {strides = array<i32>} : memref<16x80xf32, #tpu.memory_space<vmem>>, vector<16xf32>,
    tpu.vector_store %arg10[%swap3A_285, %swap3A_286], %broadcast_in_dim3A_0 {strides = array<i32>} : memref<16x80xf32, #tpu.memory_space<vmem>>, vector<16xf32>,
    %swap3A_288 = arith.constant 14 : i32
    %swap3A_289 = arith.index_cast %swap3A_288 : i32 to index
    %swap3A_290 = arith.constant 32 : index
    %swap3A_291 = tpu.vector_load %arg10[%swap3A_289, %swap3A_290] {strides = array<i32>} : memref<16x80xf32, #tpu.memory_space<vmem>>, vector<16xf32>,
    tpu.vector_store %arg10[%swap3A_289, %swap3A_290], %broadcast_in_dim3A_0 {strides = array<i32>} : memref<16x80xf32, #tpu.memory_space<vmem>>, vector<16xf32>,
    %swap3A_292 = arith.constant 14 : i32
    %swap3A_293 = arith.index_cast %swap3A_292 : i32 to index
    %swap3A_294 = arith.constant 48 : index
    %swap3A_295 = tpu.vector_load %arg10[%swap3A_293, %swap3A_294] {strides = array<i32>} : memref<16x80xf32, #tpu.memory_space<vmem>>, vector<16xf32>,
    tpu.vector_store %arg10[%swap3A_293, %swap3A_294], %broadcast_in_dim3A_0 {strides = array<i32>} : memref<16x80xf32, #tpu.memory_space<vmem>>, vector<16xf32>,
    %swap3A_296 = arith.constant 14 : i32
    %swap3A_297 = arith.index_cast %swap3A_296 : i32 to index
    %swap3A_298 = arith.constant 64 : index
    %swap3A_299 = tpu.vector_load %arg10[%swap3A_297, %swap3A_298] {strides = array<i32>} : memref<16x80xf32, #tpu.memory_space<vmem>>, vector<16xf32>,
    tpu.vector_store %arg10[%swap3A_297, %swap3A_298], %broadcast_in_dim3A_0 {strides = array<i32>} : memref<16x80xf32, #tpu.memory_space<vmem>>, vector<16xf32>,
    %swap3A_300 = arith.constant 15 : i32
    %swap3A_301 = arith.index_cast %swap3A_300 : i32 to index
    %swap3A_302 = arith.constant 0 : index
    %swap3A_303 = tpu.vector_load %arg10[%swap3A_301, %swap3A_302] {strides = array<i32>} : memref<16x80xf32, #tpu.memory_space<vmem>>, vector<16xf32>,
    tpu.vector_store %arg10[%swap3A_301, %swap3A_302], %broadcast_in_dim3A_0 {strides = array<i32>} : memref<16x80xf32, #tpu.memory_space<vmem>>, vector<16xf32>,
    %swap3A_304 = arith.constant 15 : i32
    %swap3A_305 = arith.index_cast %swap3A_304 : i32 to index
    %swap3A_306 = arith.constant 16 : index
    %swap3A_307 = tpu.vector_load %arg10[%swap3A_305, %swap3A_306] {strides = array<i32>} : memref<16x80xf32, #tpu.memory_space<vmem>>, vector<16xf32>,
    tpu.vector_store %arg10[%swap3A_305, %swap3A_306], %broadcast_in_dim3A_0 {strides = array<i32>} : memref<16x80xf32, #tpu.memory_space<vmem>>, vector<16xf32>,
    %swap3A_308 = arith.constant 15 : i32
    %swap3A_309 = arith.index_cast %swap3A_308 : i32 to index
    %swap3A_310 = arith.constant 32 : index
    %swap3A_311 = tpu.vector_load %arg10[%swap3A_309, %swap3A_310] {strides = array<i32>} : memref<16x80xf32, #tpu.memory_space<vmem>>, vector<16xf32>,
    tpu.vector_store %arg10[%swap3A_309, %swap3A_310], %broadcast_in_dim3A_0 {strides = array<i32>} : memref<16x80xf32, #tpu.memory_space<vmem>>, vector<16xf32>,
    %swap3A_312 = arith.constant 15 : i32
    %swap3A_313 = arith.index_cast %swap3A_312 : i32 to index
    %swap3A_314 = arith.constant 48 : index
    %swap3A_315 = tpu.vector_load %arg10[%swap3A_313, %swap3A_314] {strides = array<i32>} : memref<16x80xf32, #tpu.memory_space<vmem>>, vector<16xf32>,
    tpu.vector_store %arg10[%swap3A_313, %swap3A_314], %broadcast_in_dim3A_0 {strides = array<i32>} : memref<16x80xf32, #tpu.memory_space<vmem>>, vector<16xf32>,
    %swap3A_316 = arith.constant 15 : i32
    %swap3A_317 = arith.index_cast %swap3A_316 : i32 to index
    %swap3A_318 = arith.constant 64 : index
    %swap3A_319 = tpu.vector_load %arg10[%swap3A_317, %swap3A_318] {strides = array<i32>} : memref<16x80xf32, #tpu.memory_space<vmem>>, vector<16xf32>,
    tpu.vector_store %arg10[%swap3A_317, %swap3A_318], %broadcast_in_dim3A_0 {strides = array<i32>} : memref<16x80xf32, #tpu.memory_space<vmem>>, vector<16xf32>,
    %scan3A = arith.constant 0 : i32
    %scan3A_320 = arith.constant 40 : i32
    %scan3A_321 = arith.addi %scan3A, %scan3A_320 : i32
    %scan3A_322 = arith.constant 1 : i32
    scf.for %scan3A_360 = %scan3A to %scan3A_321 step %scan3A_322  : i32 {
      %mul3A_361 = arith.constant 1 : i32
      %mul3A_362 = arith.muli %scan3A_360, %mul3A_361 : i32
      %add3A = arith.constant 0 : i32
      %add3A_363 = arith.addi %add3A, %mul3A_362 : i32
      %mul3A_364 = arith.constant 640 : i32
      %mul3A_365 = arith.muli %arg1, %mul3A_364 : i32
      %mul3A_366 = arith.constant 16 : i32
      %mul3A_367 = arith.muli %add3A_363, %mul3A_366 : i32
      %add3A_368 = arith.addi %mul3A_365, %mul3A_367 : i32
      "tpu.region"() ({
        %run_scoped3A_369 = tpu.sem_alloc : memref<!tpu.dma_semaphore, #tpu.memory_space<semaphore_mem>>
        %dma_start3A_370 = arith.constant 0 : i32
        %dma_start3A_371 = tpu.memref_slice %arg11[%add3A_368, %dma_start3A_370] : memref<10240x80xf32, #tpu.memory_space<vmem_shared>> -> memref<16x80xf32, #tpu.memory_space<vmem_shared>>
        %dma_start3A_372 = arith.constant 0 : i32
        %dma_start3A_373 = tpu.memref_slice %arg11[%add3A_368, %dma_start3A_372] : memref<10240x80xf32, #tpu.memory_space<vmem_shared>> -> memref<16x80xf32, #tpu.memory_space<vmem_shared>>
        tpu.enqueue_dma source(%arg10 : memref<16x80xf32, #tpu.memory_space<vmem>>) target(%dma_start3A_373 : memref<16x80xf32, #tpu.memory_space<vmem_shared>>) target_semaphore(%run_scoped3A_369 : memref<!tpu.dma_semaphore, #tpu.memory_space<semaphore_mem>>)
        %dma_wait3A_374 = arith.constant 0 : i32
        %dma_wait3A_375 = tpu.memref_slice %arg11[%add3A_368, %dma_wait3A_374] : memref<10240x80xf32, #tpu.memory_space<vmem_shared>> -> memref<16x80xf32, #tpu.memory_space<vmem_shared>>
        %dma_wait3A_376 = arith.constant 0 : i32
        %dma_wait3A_377 = tpu.memref_slice %arg11[%add3A_368, %dma_wait3A_376] : memref<10240x80xf32, #tpu.memory_space<vmem_shared>> -> memref<16x80xf32, #tpu.memory_space<vmem_shared>>
        tpu.wait_dma2 semaphore(%run_scoped3A_369 : memref<!tpu.dma_semaphore, #tpu.memory_space<semaphore_mem>>) src(%arg10 : memref<16x80xf32, #tpu.memory_space<vmem>>) dst(%dma_wait3A_377 : memref<16x80xf32, #tpu.memory_space<vmem_shared>>)
        tpu.yield
      }) : () -> ()
    }
    %scan3A_323 = arith.constant 40 : i32
    "tpu.region"() ({
      %run_scoped3A_360 = tpu.sem_alloc : memref<!tpu.dma_semaphore, #tpu.memory_space<semaphore_mem>>
      %dma_start3A_361 = arith.constant 0 : i32
      %dma_start3A_362 = arith.constant 0 : i32
      %dma_start3A_363 = tpu.memref_slice %arg3[%arg0, %arg1, %dma_start3A_361, %dma_start3A_362] : memref<2x16x158x128xi32, #tpu.memory_space<hbm>> -> memref<1x1x158x128xi32, #tpu.memory_space<hbm>>
      %dma_start3A_364 = tpu.memref_squeeze %dma_start3A_363 : memref<1x1x158x128xi32, #tpu.memory_space<hbm>> -> memref<158x128xi32, #tpu.memory_space<hbm>>
      %dma_start3A_365 = arith.constant 0 : i32
      %dma_start3A_366 = arith.constant 0 : i32
      %dma_start3A_367 = tpu.memref_slice %arg3[%arg0, %arg1, %dma_start3A_365, %dma_start3A_366] : memref<2x16x158x128xi32, #tpu.memory_space<hbm>> -> memref<1x1x158x128xi32, #tpu.memory_space<hbm>>
      %dma_start3A_368 = tpu.memref_squeeze %dma_start3A_367 : memref<1x1x158x128xi32, #tpu.memory_space<hbm>> -> memref<158x128xi32, #tpu.memory_space<hbm>>
      tpu.enqueue_dma source(%dma_start3A_368 : memref<158x128xi32, #tpu.memory_space<hbm>>) target(%arg6 : memref<158x128xi32, #tpu.memory_space<vmem>>) target_semaphore(%run_scoped3A_360 : memref<!tpu.dma_semaphore, #tpu.memory_space<semaphore_mem>>)
      %dma_wait3A_369 = arith.constant 0 : i32
      %dma_wait3A_370 = arith.constant 0 : i32
      %dma_wait3A_371 = tpu.memref_slice %arg3[%arg0, %arg1, %dma_wait3A_369, %dma_wait3A_370] : memref<2x16x158x128xi32, #tpu.memory_space<hbm>> -> memref<1x1x158x128xi32, #tpu.memory_space<hbm>>
      %dma_wait3A_372 = tpu.memref_squeeze %dma_wait3A_371 : memref<1x1x158x128xi32, #tpu.memory_space<hbm>> -> memref<158x128xi32, #tpu.memory_space<hbm>>
      %dma_wait3A_373 = arith.constant 0 : i32
      %dma_wait3A_374 = arith.constant 0 : i32
      %dma_wait3A_375 = tpu.memref_slice %arg3[%arg0, %arg1, %dma_wait3A_373, %dma_wait3A_374] : memref<2x16x158x128xi32, #tpu.memory_space<hbm>> -> memref<1x1x158x128xi32, #tpu.memory_space<hbm>>
      %dma_wait3A_376 = tpu.memref_squeeze %dma_wait3A_375 : memref<1x1x158x128xi32, #tpu.memory_space<hbm>> -> memref<158x128xi32, #tpu.memory_space<hbm>>
      tpu.wait_dma2 semaphore(%run_scoped3A_360 : memref<!tpu.dma_semaphore, #tpu.memory_space<semaphore_mem>>) src(%dma_wait3A_376 : memref<158x128xi32, #tpu.memory_space<hbm>>) dst(%arg6 : memref<158x128xi32, #tpu.memory_space<vmem>>)
      tpu.yield
    }) : () -> ()
    "tpu.region"() ({
      %run_scoped3A_360 = tpu.sem_alloc : memref<!tpu.dma_semaphore, #tpu.memory_space<semaphore_mem>>
      %dma_start3A_361 = arith.constant 0 : i32
      %dma_start3A_362 = arith.constant 0 : i32
      %dma_start3A_363 = tpu.memref_slice %arg4[%arg1, %dma_start3A_361, %dma_start3A_362] : memref<16x158x128xi32, #tpu.memory_space<hbm>> -> memref<1x158x128xi32, #tpu.memory_space<hbm>>
      %dma_start3A_364 = tpu.memref_squeeze %dma_start3A_363 : memref<1x158x128xi32, #tpu.memory_space<hbm>> -> memref<158x128xi32, #tpu.memory_space<hbm>>
      %dma_start3A_365 = arith.constant 0 : i32
      %dma_start3A_366 = arith.constant 0 : i32
      %dma_start3A_367 = tpu.memref_slice %arg4[%arg1, %dma_start3A_365, %dma_start3A_366] : memref<16x158x128xi32, #tpu.memory_space<hbm>> -> memref<1x158x128xi32, #tpu.memory_space<hbm>>
      %dma_start3A_368 = tpu.memref_squeeze %dma_start3A_367 : memref<1x158x128xi32, #tpu.memory_space<hbm>> -> memref<158x128xi32, #tpu.memory_space<hbm>>
      tpu.enqueue_dma source(%dma_start3A_368 : memref<158x128xi32, #tpu.memory_space<hbm>>) target(%arg7 : memref<158x128xi32, #tpu.memory_space<vmem>>) target_semaphore(%run_scoped3A_360 : memref<!tpu.dma_semaphore, #tpu.memory_space<semaphore_mem>>)
      %dma_wait3A_369 = arith.constant 0 : i32
      %dma_wait3A_370 = arith.constant 0 : i32
      %dma_wait3A_371 = tpu.memref_slice %arg4[%arg1, %dma_wait3A_369, %dma_wait3A_370] : memref<16x158x128xi32, #tpu.memory_space<hbm>> -> memref<1x158x128xi32, #tpu.memory_space<hbm>>
      %dma_wait3A_372 = tpu.memref_squeeze %dma_wait3A_371 : memref<1x158x128xi32, #tpu.memory_space<hbm>> -> memref<158x128xi32, #tpu.memory_space<hbm>>
      %dma_wait3A_373 = arith.constant 0 : i32
      %dma_wait3A_374 = arith.constant 0 : i32
      %dma_wait3A_375 = tpu.memref_slice %arg4[%arg1, %dma_wait3A_373, %dma_wait3A_374] : memref<16x158x128xi32, #tpu.memory_space<hbm>> -> memref<1x158x128xi32, #tpu.memory_space<hbm>>
      %dma_wait3A_376 = tpu.memref_squeeze %dma_wait3A_375 : memref<1x158x128xi32, #tpu.memory_space<hbm>> -> memref<158x128xi32, #tpu.memory_space<hbm>>
      tpu.wait_dma2 semaphore(%run_scoped3A_360 : memref<!tpu.dma_semaphore, #tpu.memory_space<semaphore_mem>>) src(%dma_wait3A_376 : memref<158x128xi32, #tpu.memory_space<hbm>>) dst(%arg7 : memref<158x128xi32, #tpu.memory_space<vmem>>)
      tpu.yield
    }) : () -> ()
    %barrier3A = arith.constant 0 : index
    tpu.barrier barrier_id(%barrier3A)
    %dma_start3A = arith.constant 0 : i32
    %dma_start3A_324 = arith.constant 0 : i32
    %dma_start3A_325 = tpu.memref_slice %arg6[%dma_start3A, %dma_start3A_324] : memref<158x128xi32, #tpu.memory_space<vmem>> -> memref<1x128xi32, #tpu.memory_space<vmem>>
    %dma_start3A_326 = tpu.memref_squeeze %dma_start3A_325 : memref<1x128xi32, #tpu.memory_space<vmem>> -> memref<128xi32, #tpu.memory_space<vmem>>
    %dma_start3A_327 = arith.constant 0 : i32
    %dma_start3A_328 = arith.constant 0 : i32
    %dma_start3A_329 = tpu.memref_slice %arg2[%dma_start3A_327, %dma_start3A_328] : memref<20480x80xf32, #tpu.memory_space<hbm>> -> memref<20480x80xf32, #tpu.memory_space<hbm>>
    tpu.enqueue_indirect_dma source(%dma_start3A_329 : memref<20480x80xf32, #tpu.memory_space<hbm>>) target(%arg8 : memref<128x80xf32, #tpu.memory_space<vmem>>) offsets(%dma_start3A_326 : memref<128xi32, #tpu.memory_space<vmem>>) semaphore(%arg12 : memref<!tpu.dma_semaphore, #tpu.memory_space<semaphore_mem>>)
    %dma_start3A_330 = arith.constant 1 : i32
    %dma_start3A_331 = arith.constant 0 : i32
    %dma_start3A_332 = tpu.memref_slice %arg6[%dma_start3A_330, %dma_start3A_331] : memref<158x128xi32, #tpu.memory_space<vmem>> -> memref<1x128xi32, #tpu.memory_space<vmem>>
    %dma_start3A_333 = tpu.memref_squeeze %dma_start3A_332 : memref<1x128xi32, #tpu.memory_space<vmem>> -> memref<128xi32, #tpu.memory_space<vmem>>
    %dma_start3A_334 = arith.constant 0 : i32
    %dma_start3A_335 = arith.constant 0 : i32
    %dma_start3A_336 = tpu.memref_slice %arg2[%dma_start3A_334, %dma_start3A_335] : memref<20480x80xf32, #tpu.memory_space<hbm>> -> memref<20480x80xf32, #tpu.memory_space<hbm>>
    tpu.enqueue_indirect_dma source(%dma_start3A_336 : memref<20480x80xf32, #tpu.memory_space<hbm>>) target(%arg9 : memref<128x80xf32, #tpu.memory_space<vmem>>) offsets(%dma_start3A_333 : memref<128xi32, #tpu.memory_space<vmem>>) semaphore(%arg13 : memref<!tpu.dma_semaphore, #tpu.memory_space<semaphore_mem>>)
    %scan3A_337 = arith.constant 0 : i32
    %scan3A_338 = arith.constant 78 : i32
    %scan3A_339 = arith.addi %scan3A_337, %scan3A_338 : i32
    %scan3A_340 = arith.constant 1 : i32
    scf.for %scan3A_360 = %scan3A_337 to %scan3A_339 step %scan3A_340  : i32 {
      %mul3A_361 = arith.constant 1 : i32
      %mul3A_362 = arith.muli %scan3A_360, %mul3A_361 : i32
      %add3A = arith.constant 0 : i32
      %add3A_363 = arith.addi %add3A, %mul3A_362 : i32
      %mul3A_364 = arith.constant 2 : i32
      %mul3A_365 = arith.muli %mul3A_364, %add3A_363 : i32
      %dma_wait3A_366 = arith.constant 0 : i32
      %dma_wait3A_367 = tpu.memref_slice %arg6[%mul3A_365, %dma_wait3A_366] : memref<158x128xi32, #tpu.memory_space<vmem>> -> memref<1x128xi32, #tpu.memory_space<vmem>>
      %dma_wait3A_368 = tpu.memref_squeeze %dma_wait3A_367 : memref<1x128xi32, #tpu.memory_space<vmem>> -> memref<128xi32, #tpu.memory_space<vmem>>
      %dma_wait3A_369 = arith.constant 0 : i32
      %dma_wait3A_370 = arith.constant 0 : i32
      %dma_wait3A_371 = tpu.memref_slice %arg2[%dma_wait3A_369, %dma_wait3A_370] : memref<20480x80xf32, #tpu.memory_space<hbm>> -> memref<20480x80xf32, #tpu.memory_space<hbm>>
      tpu.wait_indirect_dma semaphore(%arg12 : memref<!tpu.dma_semaphore, #tpu.memory_space<semaphore_mem>>) src(%dma_wait3A_371 : memref<20480x80xf32, #tpu.memory_space<hbm>>) dst(%arg8 : memref<128x80xf32, #tpu.memory_space<vmem>>)
      "tpu.region"() ({
        %run_scoped3A_398 = tpu.sem_alloc : memref<!tpu.dma_semaphore, #tpu.memory_space<semaphore_mem>>
        %dma_start3A_399 = arith.constant 0 : i32
        %dma_start3A_400 = tpu.memref_slice %arg7[%mul3A_365, %dma_start3A_399] : memref<158x128xi32, #tpu.memory_space<vmem>> -> memref<1x128xi32, #tpu.memory_space<vmem>>
        %dma_start3A_401 = tpu.memref_squeeze %dma_start3A_400 : memref<1x128xi32, #tpu.memory_space<vmem>> -> memref<128xi32, #tpu.memory_space<vmem>>
        %dma_start3A_402 = arith.constant 0 : i32
        %dma_start3A_403 = arith.constant 0 : i32
        %dma_start3A_404 = tpu.memref_slice %arg11[%dma_start3A_402, %dma_start3A_403] : memref<10240x80xf32, #tpu.memory_space<vmem_shared>> -> memref<10240x80xf32, #tpu.memory_space<vmem_shared>>
        tpu.enqueue_indirect_dma source(%arg8 : memref<128x80xf32, #tpu.memory_space<vmem>>) target(%dma_start3A_404 : memref<10240x80xf32, #tpu.memory_space<vmem_shared>>) offsets(%dma_start3A_401 : memref<128xi32, #tpu.memory_space<vmem>>) semaphore(%run_scoped3A_398 : memref<!tpu.dma_semaphore, #tpu.memory_space<semaphore_mem>>) {add = true}
        %dma_wait3A_405 = arith.constant 0 : i32
        %dma_wait3A_406 = tpu.memref_slice %arg7[%mul3A_365, %dma_wait3A_405] : memref<158x128xi32, #tpu.memory_space<vmem>> -> memref<1x128xi32, #tpu.memory_space<vmem>>
        %dma_wait3A_407 = tpu.memref_squeeze %dma_wait3A_406 : memref<1x128xi32, #tpu.memory_space<vmem>> -> memref<128xi32, #tpu.memory_space<vmem>>
        %dma_wait3A_408 = arith.constant 0 : i32
        %dma_wait3A_409 = arith.constant 0 : i32
        %dma_wait3A_410 = tpu.memref_slice %arg11[%dma_wait3A_408, %dma_wait3A_409] : memref<10240x80xf32, #tpu.memory_space<vmem_shared>> -> memref<10240x80xf32, #tpu.memory_space<vmem_shared>>
        tpu.wait_indirect_dma semaphore(%run_scoped3A_398 : memref<!tpu.dma_semaphore, #tpu.memory_space<semaphore_mem>>) src(%arg8 : memref<128x80xf32, #tpu.memory_space<vmem>>) dst(%dma_wait3A_410 : memref<10240x80xf32, #tpu.memory_space<vmem_shared>>)
        tpu.yield
      }) : () -> ()
      %add3A_372 = arith.constant 2 : i32
      %add3A_373 = arith.addi %mul3A_365, %add3A_372 : i32
      %dma_start3A_374 = arith.constant 0 : i32
      %dma_start3A_375 = tpu.memref_slice %arg6[%add3A_373, %dma_start3A_374] : memref<158x128xi32, #tpu.memory_space<vmem>> -> memref<1x128xi32, #tpu.memory_space<vmem>>
      %dma_start3A_376 = tpu.memref_squeeze %dma_start3A_375 : memref<1x128xi32, #tpu.memory_space<vmem>> -> memref<128xi32, #tpu.memory_space<vmem>>
      %dma_start3A_377 = arith.constant 0 : i32
      %dma_start3A_378 = arith.constant 0 : i32
      %dma_start3A_379 = tpu.memref_slice %arg2[%dma_start3A_377, %dma_start3A_378] : memref<20480x80xf32, #tpu.memory_space<hbm>> -> memref<20480x80xf32, #tpu.memory_space<hbm>>
      tpu.enqueue_indirect_dma source(%dma_start3A_379 : memref<20480x80xf32, #tpu.memory_space<hbm>>) target(%arg8 : memref<128x80xf32, #tpu.memory_space<vmem>>) offsets(%dma_start3A_376 : memref<128xi32, #tpu.memory_space<vmem>>) semaphore(%arg12 : memref<!tpu.dma_semaphore, #tpu.memory_space<semaphore_mem>>)
      %add3A_380 = arith.constant 1 : i32
      %add3A_381 = arith.addi %mul3A_365, %add3A_380 : i32
      %dma_wait3A_382 = arith.constant 0 : i32
      %dma_wait3A_383 = tpu.memref_slice %arg6[%add3A_381, %dma_wait3A_382] : memref<158x128xi32, #tpu.memory_space<vmem>> -> memref<1x128xi32, #tpu.memory_space<vmem>>
      %dma_wait3A_384 = tpu.memref_squeeze %dma_wait3A_383 : memref<1x128xi32, #tpu.memory_space<vmem>> -> memref<128xi32, #tpu.memory_space<vmem>>
      %dma_wait3A_385 = arith.constant 0 : i32
      %dma_wait3A_386 = arith.constant 0 : i32
      %dma_wait3A_387 = tpu.memref_slice %arg2[%dma_wait3A_385, %dma_wait3A_386] : memref<20480x80xf32, #tpu.memory_space<hbm>> -> memref<20480x80xf32, #tpu.memory_space<hbm>>
      tpu.wait_indirect_dma semaphore(%arg13 : memref<!tpu.dma_semaphore, #tpu.memory_space<semaphore_mem>>) src(%dma_wait3A_387 : memref<20480x80xf32, #tpu.memory_space<hbm>>) dst(%arg9 : memref<128x80xf32, #tpu.memory_space<vmem>>)
      %add3A_388 = arith.constant 1 : i32
      %add3A_389 = arith.addi %mul3A_365, %add3A_388 : i32
      "tpu.region"() ({
        %run_scoped3A_398 = tpu.sem_alloc : memref<!tpu.dma_semaphore, #tpu.memory_space<semaphore_mem>>
        %dma_start3A_399 = arith.constant 0 : i32
        %dma_start3A_400 = tpu.memref_slice %arg7[%add3A_389, %dma_start3A_399] : memref<158x128xi32, #tpu.memory_space<vmem>> -> memref<1x128xi32, #tpu.memory_space<vmem>>
        %dma_start3A_401 = tpu.memref_squeeze %dma_start3A_400 : memref<1x128xi32, #tpu.memory_space<vmem>> -> memref<128xi32, #tpu.memory_space<vmem>>
        %dma_start3A_402 = arith.constant 0 : i32
        %dma_start3A_403 = arith.constant 0 : i32
        %dma_start3A_404 = tpu.memref_slice %arg11[%dma_start3A_402, %dma_start3A_403] : memref<10240x80xf32, #tpu.memory_space<vmem_shared>> -> memref<10240x80xf32, #tpu.memory_space<vmem_shared>>
        tpu.enqueue_indirect_dma source(%arg9 : memref<128x80xf32, #tpu.memory_space<vmem>>) target(%dma_start3A_404 : memref<10240x80xf32, #tpu.memory_space<vmem_shared>>) offsets(%dma_start3A_401 : memref<128xi32, #tpu.memory_space<vmem>>) semaphore(%run_scoped3A_398 : memref<!tpu.dma_semaphore, #tpu.memory_space<semaphore_mem>>) {add = true}
        %dma_wait3A_405 = arith.constant 0 : i32
        %dma_wait3A_406 = tpu.memref_slice %arg7[%add3A_389, %dma_wait3A_405] : memref<158x128xi32, #tpu.memory_space<vmem>> -> memref<1x128xi32, #tpu.memory_space<vmem>>
        %dma_wait3A_407 = tpu.memref_squeeze %dma_wait3A_406 : memref<1x128xi32, #tpu.memory_space<vmem>> -> memref<128xi32, #tpu.memory_space<vmem>>
        %dma_wait3A_408 = arith.constant 0 : i32
        %dma_wait3A_409 = arith.constant 0 : i32
        %dma_wait3A_410 = tpu.memref_slice %arg11[%dma_wait3A_408, %dma_wait3A_409] : memref<10240x80xf32, #tpu.memory_space<vmem_shared>> -> memref<10240x80xf32, #tpu.memory_space<vmem_shared>>
        tpu.wait_indirect_dma semaphore(%run_scoped3A_398 : memref<!tpu.dma_semaphore, #tpu.memory_space<semaphore_mem>>) src(%arg9 : memref<128x80xf32, #tpu.memory_space<vmem>>) dst(%dma_wait3A_410 : memref<10240x80xf32, #tpu.memory_space<vmem_shared>>)
        tpu.yield
      }) : () -> ()
      %add3A_390 = arith.constant 3 : i32
      %add3A_391 = arith.addi %mul3A_365, %add3A_390 : i32
      %dma_start3A_392 = arith.constant 0 : i32
      %dma_start3A_393 = tpu.memref_slice %arg6[%add3A_391, %dma_start3A_392] : memref<158x128xi32, #tpu.memory_space<vmem>> -> memref<1x128xi32, #tpu.memory_space<vmem>>
      %dma_start3A_394 = tpu.memref_squeeze %dma_start3A_393 : memref<1x128xi32, #tpu.memory_space<vmem>> -> memref<128xi32, #tpu.memory_space<vmem>>
      %dma_start3A_395 = arith.constant 0 : i32
      %dma_start3A_396 = arith.constant 0 : i32
      %dma_start3A_397 = tpu.memref_slice %arg2[%dma_start3A_395, %dma_start3A_396] : memref<20480x80xf32, #tpu.memory_space<hbm>> -> memref<20480x80xf32, #tpu.memory_space<hbm>>
      tpu.enqueue_indirect_dma source(%dma_start3A_397 : memref<20480x80xf32, #tpu.memory_space<hbm>>) target(%arg9 : memref<128x80xf32, #tpu.memory_space<vmem>>) offsets(%dma_start3A_394 : memref<128xi32, #tpu.memory_space<vmem>>) semaphore(%arg13 : memref<!tpu.dma_semaphore, #tpu.memory_space<semaphore_mem>>)
    }
    %scan3A_341 = arith.constant 78 : i32
    %dma_wait3A = arith.constant 156 : i32
    %dma_wait3A_342 = arith.constant 0 : i32
    %dma_wait3A_343 = tpu.memref_slice %arg6[%dma_wait3A, %dma_wait3A_342] : memref<158x128xi32, #tpu.memory_space<vmem>> -> memref<1x128xi32, #tpu.memory_space<vmem>>
    %dma_wait3A_344 = tpu.memref_squeeze %dma_wait3A_343 : memref<1x128xi32, #tpu.memory_space<vmem>> -> memref<128xi32, #tpu.memory_space<vmem>>
    %dma_wait3A_345 = arith.constant 0 : i32
    %dma_wait3A_346 = arith.constant 0 : i32
    %dma_wait3A_347 = tpu.memref_slice %arg2[%dma_wait3A_345, %dma_wait3A_346] : memref<20480x80xf32, #tpu.memory_space<hbm>> -> memref<20480x80xf32, #tpu.memory_space<hbm>>
    tpu.wait_indirect_dma semaphore(%arg12 : memref<!tpu.dma_semaphore, #tpu.memory_space<semaphore_mem>>) src(%dma_wait3A_347 : memref<20480x80xf32, #tpu.memory_space<hbm>>) dst(%arg8 : memref<128x80xf32, #tpu.memory_space<vmem>>)
    %run_scoped3A = arith.constant 156 : i32
    "tpu.region"() ({
      %run_scoped3A_360 = tpu.sem_alloc : memref<!tpu.dma_semaphore, #tpu.memory_space<semaphore_mem>>
      %dma_start3A_361 = arith.constant 0 : i32
      %dma_start3A_362 = tpu.memref_slice %arg7[%run_scoped3A, %dma_start3A_361] : memref<158x128xi32, #tpu.memory_space<vmem>> -> memref<1x128xi32, #tpu.memory_space<vmem>>
      %dma_start3A_363 = tpu.memref_squeeze %dma_start3A_362 : memref<1x128xi32, #tpu.memory_space<vmem>> -> memref<128xi32, #tpu.memory_space<vmem>>
      %dma_start3A_364 = arith.constant 0 : i32
      %dma_start3A_365 = arith.constant 0 : i32
      %dma_start3A_366 = tpu.memref_slice %arg11[%dma_start3A_364, %dma_start3A_365] : memref<10240x80xf32, #tpu.memory_space<vmem_shared>> -> memref<10240x80xf32, #tpu.memory_space<vmem_shared>>
      tpu.enqueue_indirect_dma source(%arg8 : memref<128x80xf32, #tpu.memory_space<vmem>>) target(%dma_start3A_366 : memref<10240x80xf32, #tpu.memory_space<vmem_shared>>) offsets(%dma_start3A_363 : memref<128xi32, #tpu.memory_space<vmem>>) semaphore(%run_scoped3A_360 : memref<!tpu.dma_semaphore, #tpu.memory_space<semaphore_mem>>) {add = true}
      %dma_wait3A_367 = arith.constant 0 : i32
      %dma_wait3A_368 = tpu.memref_slice %arg7[%run_scoped3A, %dma_wait3A_367] : memref<158x128xi32, #tpu.memory_space<vmem>> -> memref<1x128xi32, #tpu.memory_space<vmem>>
      %dma_wait3A_369 = tpu.memref_squeeze %dma_wait3A_368 : memref<1x128xi32, #tpu.memory_space<vmem>> -> memref<128xi32, #tpu.memory_space<vmem>>
      %dma_wait3A_370 = arith.constant 0 : i32
      %dma_wait3A_371 = arith.constant 0 : i32
      %dma_wait3A_372 = tpu.memref_slice %arg11[%dma_wait3A_370, %dma_wait3A_371] : memref<10240x80xf32, #tpu.memory_space<vmem_shared>> -> memref<10240x80xf32, #tpu.memory_space<vmem_shared>>
      tpu.wait_indirect_dma semaphore(%run_scoped3A_360 : memref<!tpu.dma_semaphore, #tpu.memory_space<semaphore_mem>>) src(%arg8 : memref<128x80xf32, #tpu.memory_space<vmem>>) dst(%dma_wait3A_372 : memref<10240x80xf32, #tpu.memory_space<vmem_shared>>)
      tpu.yield
    }) : () -> ()
    %dma_wait3A_348 = arith.constant 157 : i32
    %dma_wait3A_349 = arith.constant 0 : i32
    %dma_wait3A_350 = tpu.memref_slice %arg6[%dma_wait3A_348, %dma_wait3A_349] : memref<158x128xi32, #tpu.memory_space<vmem>> -> memref<1x128xi32, #tpu.memory_space<vmem>>
    %dma_wait3A_351 = tpu.memref_squeeze %dma_wait3A_350 : memref<1x128xi32, #tpu.memory_space<vmem>> -> memref<128xi32, #tpu.memory_space<vmem>>
    %dma_wait3A_352 = arith.constant 0 : i32
    %dma_wait3A_353 = arith.constant 0 : i32
    %dma_wait3A_354 = tpu.memref_slice %arg2[%dma_wait3A_352, %dma_wait3A_353] : memref<20480x80xf32, #tpu.memory_space<hbm>> -> memref<20480x80xf32, #tpu.memory_space<hbm>>
    tpu.wait_indirect_dma semaphore(%arg13 : memref<!tpu.dma_semaphore, #tpu.memory_space<semaphore_mem>>) src(%dma_wait3A_354 : memref<20480x80xf32, #tpu.memory_space<hbm>>) dst(%arg9 : memref<128x80xf32, #tpu.memory_space<vmem>>)
    %run_scoped3A_355 = arith.constant 157 : i32
    "tpu.region"() ({
      %run_scoped3A_360 = tpu.sem_alloc : memref<!tpu.dma_semaphore, #tpu.memory_space<semaphore_mem>>
      %dma_start3A_361 = arith.constant 0 : i32
      %dma_start3A_362 = tpu.memref_slice %arg7[%run_scoped3A_355, %dma_start3A_361] : memref<158x128xi32, #tpu.memory_space<vmem>> -> memref<1x128xi32, #tpu.memory_space<vmem>>
      %dma_start3A_363 = tpu.memref_squeeze %dma_start3A_362 : memref<1x128xi32, #tpu.memory_space<vmem>> -> memref<128xi32, #tpu.memory_space<vmem>>
      %dma_start3A_364 = arith.constant 0 : i32
      %dma_start3A_365 = arith.constant 0 : i32
      %dma_start3A_366 = tpu.memref_slice %arg11[%dma_start3A_364, %dma_start3A_365] : memref<10240x80xf32, #tpu.memory_space<vmem_shared>> -> memref<10240x80xf32, #tpu.memory_space<vmem_shared>>
      tpu.enqueue_indirect_dma source(%arg9 : memref<128x80xf32, #tpu.memory_space<vmem>>) target(%dma_start3A_366 : memref<10240x80xf32, #tpu.memory_space<vmem_shared>>) offsets(%dma_start3A_363 : memref<128xi32, #tpu.memory_space<vmem>>) semaphore(%run_scoped3A_360 : memref<!tpu.dma_semaphore, #tpu.memory_space<semaphore_mem>>) {add = true}
      %dma_wait3A_367 = arith.constant 0 : i32
      %dma_wait3A_368 = tpu.memref_slice %arg7[%run_scoped3A_355, %dma_wait3A_367] : memref<158x128xi32, #tpu.memory_space<vmem>> -> memref<1x128xi32, #tpu.memory_space<vmem>>
      %dma_wait3A_369 = tpu.memref_squeeze %dma_wait3A_368 : memref<1x128xi32, #tpu.memory_space<vmem>> -> memref<128xi32, #tpu.memory_space<vmem>>
      %dma_wait3A_370 = arith.constant 0 : i32
      %dma_wait3A_371 = arith.constant 0 : i32
      %dma_wait3A_372 = tpu.memref_slice %arg11[%dma_wait3A_370, %dma_wait3A_371] : memref<10240x80xf32, #tpu.memory_space<vmem_shared>> -> memref<10240x80xf32, #tpu.memory_space<vmem_shared>>
      tpu.wait_indirect_dma semaphore(%run_scoped3A_360 : memref<!tpu.dma_semaphore, #tpu.memory_space<semaphore_mem>>) src(%arg9 : memref<128x80xf32, #tpu.memory_space<vmem>>) dst(%dma_wait3A_372 : memref<10240x80xf32, #tpu.memory_space<vmem_shared>>)
      tpu.yield
    }) : () -> ()
    %barrier3A_356 = arith.constant 0 : index
    tpu.barrier barrier_id(%barrier3A_356)
    %mul3A = arith.constant 640 : i32
    %mul3A_357 = arith.muli %arg1, %mul3A : i32
    %mul3A_358 = arith.constant 640 : i32
    %mul3A_359 = arith.muli %arg1, %mul3A_358 : i32
    "tpu.region"() ({
      %run_scoped3A_360 = tpu.sem_alloc : memref<!tpu.dma_semaphore, #tpu.memory_space<semaphore_mem>>
      %dma_start3A_361 = arith.constant 0 : i32
      %dma_start3A_362 = tpu.memref_slice %arg5[%arg0, %mul3A_359, %dma_start3A_361] : memref<2x10240x80xf32, #tpu.memory_space<hbm>> -> memref<1x640x80xf32, #tpu.memory_space<hbm>>
      %dma_start3A_363 = tpu.memref_squeeze %dma_start3A_362 : memref<1x640x80xf32, #tpu.memory_space<hbm>> -> memref<640x80xf32, #tpu.memory_space<hbm>>
      %dma_start3A_364 = arith.constant 0 : i32
      %dma_start3A_365 = tpu.memref_slice %arg11[%mul3A_357, %dma_start3A_364] : memref<10240x80xf32, #tpu.memory_space<vmem_shared>> -> memref<640x80xf32, #tpu.memory_space<vmem_shared>>
      tpu.enqueue_dma source(%dma_start3A_365 : memref<640x80xf32, #tpu.memory_space<vmem_shared>>) target(%dma_start3A_363 : memref<640x80xf32, #tpu.memory_space<hbm>>) target_semaphore(%run_scoped3A_360 : memref<!tpu.dma_semaphore, #tpu.memory_space<semaphore_mem>>)
      %dma_wait3A_366 = arith.constant 0 : i32
      %dma_wait3A_367 = tpu.memref_slice %arg5[%arg0, %mul3A_359, %dma_wait3A_366] : memref<2x10240x80xf32, #tpu.memory_space<hbm>> -> memref<1x640x80xf32, #tpu.memory_space<hbm>>
      %dma_wait3A_368 = tpu.memref_squeeze %dma_wait3A_367 : memref<1x640x80xf32, #tpu.memory_space<hbm>> -> memref<640x80xf32, #tpu.memory_space<hbm>>
      %dma_wait3A_369 = arith.constant 0 : i32
      %dma_wait3A_370 = tpu.memref_slice %arg11[%mul3A_357, %dma_wait3A_369] : memref<10240x80xf32, #tpu.memory_space<vmem_shared>> -> memref<640x80xf32, #tpu.memory_space<vmem_shared>>
      tpu.wait_dma2 semaphore(%run_scoped3A_360 : memref<!tpu.dma_semaphore, #tpu.memory_space<semaphore_mem>>) src(%dma_wait3A_370 : memref<640x80xf32, #tpu.memory_space<vmem_shared>>) dst(%dma_wait3A_368 : memref<640x80xf32, #tpu.memory_space<hbm>>)
      tpu.yield
    }) : () -> ()
    return
  }
}

#map = affine_map<(d0, d1) -> (0, 0)>
#map1 = affine_map<(d0, d1) -> (0, 0, 0, 0)>
#map2 = affine_map<(d0, d1) -> (0, 0, 0)>
module attributes {stable_mosaic.version = 14 : i64} {
  func.func @seg_sum(%arg0: i32, %arg1: i32, %arg2: memref<20480x32xf32, #tpu.memory_space<hbm>>, %arg3: memref<2x16x158x128xi32, #tpu.memory_space<hbm>>, %arg4: memref<16x158x128xi32, #tpu.memory_space<hbm>>, %arg5: memref<2x10240x32xf32, #tpu.memory_space<hbm>>, %arg6: memref<158x128xi32, #tpu.memory_space<vmem>>, %arg7: memref<158x128xi32, #tpu.memory_space<vmem>>, %arg8: memref<128x32xf32, #tpu.memory_space<vmem>>, %arg9: memref<128x32xf32, #tpu.memory_space<vmem>>, %arg10: memref<16x32xf32, #tpu.memory_space<vmem>>, %arg11: memref<10240x32xf32, #tpu.memory_space<vmem_shared>>, %arg12: memref<!tpu.dma_semaphore, #tpu.memory_space<semaphore_mem>>, %arg13: memref<!tpu.dma_semaphore, #tpu.memory_space<semaphore_mem>>) attributes {dimension_semantics = [#tpu.dimension_semantics<core_parallel>, #tpu.dimension_semantics<subcore_parallel>], iteration_bounds = array<i64: 2, 16>, scalar_prefetch = 0 : i64, scratch_operands = 8 : i64, tpu.core_type = #tpu.core_type<sc_vector_subcore>, window_params = [{transform_indices = #map}, {transform_indices = #map1}, {transform_indices = #map2}, {transform_indices = #map2}]} {
    %broadcast_in_dim3A = arith.constant 0.000000e+00 : f32
    %broadcast_in_dim3A_0 = vector.broadcast %broadcast_in_dim3A : f32 to vector<16xf32>
    %swap3A = arith.constant 0 : i32
    %swap3A_1 = arith.index_cast %swap3A : i32 to index
    %swap3A_2 = arith.constant 0 : index
    %swap3A_3 = tpu.vector_load %arg10[%swap3A_1, %swap3A_2] {strides = array<i32>} : memref<16x32xf32, #tpu.memory_space<vmem>>, vector<16xf32>,
    tpu.vector_store %arg10[%swap3A_1, %swap3A_2], %broadcast_in_dim3A_0 {strides = array<i32>} : memref<16x32xf32, #tpu.memory_space<vmem>>, vector<16xf32>,
    %swap3A_4 = arith.constant 0 : i32
    %swap3A_5 = arith.index_cast %swap3A_4 : i32 to index
    %swap3A_6 = arith.constant 16 : index
    %swap3A_7 = tpu.vector_load %arg10[%swap3A_5, %swap3A_6] {strides = array<i32>} : memref<16x32xf32, #tpu.memory_space<vmem>>, vector<16xf32>,
    tpu.vector_store %arg10[%swap3A_5, %swap3A_6], %broadcast_in_dim3A_0 {strides = array<i32>} : memref<16x32xf32, #tpu.memory_space<vmem>>, vector<16xf32>,
    %swap3A_8 = arith.constant 1 : i32
    %swap3A_9 = arith.index_cast %swap3A_8 : i32 to index
    %swap3A_10 = arith.constant 0 : index
    %swap3A_11 = tpu.vector_load %arg10[%swap3A_9, %swap3A_10] {strides = array<i32>} : memref<16x32xf32, #tpu.memory_space<vmem>>, vector<16xf32>,
    tpu.vector_store %arg10[%swap3A_9, %swap3A_10], %broadcast_in_dim3A_0 {strides = array<i32>} : memref<16x32xf32, #tpu.memory_space<vmem>>, vector<16xf32>,
    %swap3A_12 = arith.constant 1 : i32
    %swap3A_13 = arith.index_cast %swap3A_12 : i32 to index
    %swap3A_14 = arith.constant 16 : index
    %swap3A_15 = tpu.vector_load %arg10[%swap3A_13, %swap3A_14] {strides = array<i32>} : memref<16x32xf32, #tpu.memory_space<vmem>>, vector<16xf32>,
    tpu.vector_store %arg10[%swap3A_13, %swap3A_14], %broadcast_in_dim3A_0 {strides = array<i32>} : memref<16x32xf32, #tpu.memory_space<vmem>>, vector<16xf32>,
    %swap3A_16 = arith.constant 2 : i32
    %swap3A_17 = arith.index_cast %swap3A_16 : i32 to index
    %swap3A_18 = arith.constant 0 : index
    %swap3A_19 = tpu.vector_load %arg10[%swap3A_17, %swap3A_18] {strides = array<i32>} : memref<16x32xf32, #tpu.memory_space<vmem>>, vector<16xf32>,
    tpu.vector_store %arg10[%swap3A_17, %swap3A_18], %broadcast_in_dim3A_0 {strides = array<i32>} : memref<16x32xf32, #tpu.memory_space<vmem>>, vector<16xf32>,
    %swap3A_20 = arith.constant 2 : i32
    %swap3A_21 = arith.index_cast %swap3A_20 : i32 to index
    %swap3A_22 = arith.constant 16 : index
    %swap3A_23 = tpu.vector_load %arg10[%swap3A_21, %swap3A_22] {strides = array<i32>} : memref<16x32xf32, #tpu.memory_space<vmem>>, vector<16xf32>,
    tpu.vector_store %arg10[%swap3A_21, %swap3A_22], %broadcast_in_dim3A_0 {strides = array<i32>} : memref<16x32xf32, #tpu.memory_space<vmem>>, vector<16xf32>,
    %swap3A_24 = arith.constant 3 : i32
    %swap3A_25 = arith.index_cast %swap3A_24 : i32 to index
    %swap3A_26 = arith.constant 0 : index
    %swap3A_27 = tpu.vector_load %arg10[%swap3A_25, %swap3A_26] {strides = array<i32>} : memref<16x32xf32, #tpu.memory_space<vmem>>, vector<16xf32>,
    tpu.vector_store %arg10[%swap3A_25, %swap3A_26], %broadcast_in_dim3A_0 {strides = array<i32>} : memref<16x32xf32, #tpu.memory_space<vmem>>, vector<16xf32>,
    %swap3A_28 = arith.constant 3 : i32
    %swap3A_29 = arith.index_cast %swap3A_28 : i32 to index
    %swap3A_30 = arith.constant 16 : index
    %swap3A_31 = tpu.vector_load %arg10[%swap3A_29, %swap3A_30] {strides = array<i32>} : memref<16x32xf32, #tpu.memory_space<vmem>>, vector<16xf32>,
    tpu.vector_store %arg10[%swap3A_29, %swap3A_30], %broadcast_in_dim3A_0 {strides = array<i32>} : memref<16x32xf32, #tpu.memory_space<vmem>>, vector<16xf32>,
    %swap3A_32 = arith.constant 4 : i32
    %swap3A_33 = arith.index_cast %swap3A_32 : i32 to index
    %swap3A_34 = arith.constant 0 : index
    %swap3A_35 = tpu.vector_load %arg10[%swap3A_33, %swap3A_34] {strides = array<i32>} : memref<16x32xf32, #tpu.memory_space<vmem>>, vector<16xf32>,
    tpu.vector_store %arg10[%swap3A_33, %swap3A_34], %broadcast_in_dim3A_0 {strides = array<i32>} : memref<16x32xf32, #tpu.memory_space<vmem>>, vector<16xf32>,
    %swap3A_36 = arith.constant 4 : i32
    %swap3A_37 = arith.index_cast %swap3A_36 : i32 to index
    %swap3A_38 = arith.constant 16 : index
    %swap3A_39 = tpu.vector_load %arg10[%swap3A_37, %swap3A_38] {strides = array<i32>} : memref<16x32xf32, #tpu.memory_space<vmem>>, vector<16xf32>,
    tpu.vector_store %arg10[%swap3A_37, %swap3A_38], %broadcast_in_dim3A_0 {strides = array<i32>} : memref<16x32xf32, #tpu.memory_space<vmem>>, vector<16xf32>,
    %swap3A_40 = arith.constant 5 : i32
    %swap3A_41 = arith.index_cast %swap3A_40 : i32 to index
    %swap3A_42 = arith.constant 0 : index
    %swap3A_43 = tpu.vector_load %arg10[%swap3A_41, %swap3A_42] {strides = array<i32>} : memref<16x32xf32, #tpu.memory_space<vmem>>, vector<16xf32>,
    tpu.vector_store %arg10[%swap3A_41, %swap3A_42], %broadcast_in_dim3A_0 {strides = array<i32>} : memref<16x32xf32, #tpu.memory_space<vmem>>, vector<16xf32>,
    %swap3A_44 = arith.constant 5 : i32
    %swap3A_45 = arith.index_cast %swap3A_44 : i32 to index
    %swap3A_46 = arith.constant 16 : index
    %swap3A_47 = tpu.vector_load %arg10[%swap3A_45, %swap3A_46] {strides = array<i32>} : memref<16x32xf32, #tpu.memory_space<vmem>>, vector<16xf32>,
    tpu.vector_store %arg10[%swap3A_45, %swap3A_46], %broadcast_in_dim3A_0 {strides = array<i32>} : memref<16x32xf32, #tpu.memory_space<vmem>>, vector<16xf32>,
    %swap3A_48 = arith.constant 6 : i32
    %swap3A_49 = arith.index_cast %swap3A_48 : i32 to index
    %swap3A_50 = arith.constant 0 : index
    %swap3A_51 = tpu.vector_load %arg10[%swap3A_49, %swap3A_50] {strides = array<i32>} : memref<16x32xf32, #tpu.memory_space<vmem>>, vector<16xf32>,
    tpu.vector_store %arg10[%swap3A_49, %swap3A_50], %broadcast_in_dim3A_0 {strides = array<i32>} : memref<16x32xf32, #tpu.memory_space<vmem>>, vector<16xf32>,
    %swap3A_52 = arith.constant 6 : i32
    %swap3A_53 = arith.index_cast %swap3A_52 : i32 to index
    %swap3A_54 = arith.constant 16 : index
    %swap3A_55 = tpu.vector_load %arg10[%swap3A_53, %swap3A_54] {strides = array<i32>} : memref<16x32xf32, #tpu.memory_space<vmem>>, vector<16xf32>,
    tpu.vector_store %arg10[%swap3A_53, %swap3A_54], %broadcast_in_dim3A_0 {strides = array<i32>} : memref<16x32xf32, #tpu.memory_space<vmem>>, vector<16xf32>,
    %swap3A_56 = arith.constant 7 : i32
    %swap3A_57 = arith.index_cast %swap3A_56 : i32 to index
    %swap3A_58 = arith.constant 0 : index
    %swap3A_59 = tpu.vector_load %arg10[%swap3A_57, %swap3A_58] {strides = array<i32>} : memref<16x32xf32, #tpu.memory_space<vmem>>, vector<16xf32>,
    tpu.vector_store %arg10[%swap3A_57, %swap3A_58], %broadcast_in_dim3A_0 {strides = array<i32>} : memref<16x32xf32, #tpu.memory_space<vmem>>, vector<16xf32>,
    %swap3A_60 = arith.constant 7 : i32
    %swap3A_61 = arith.index_cast %swap3A_60 : i32 to index
    %swap3A_62 = arith.constant 16 : index
    %swap3A_63 = tpu.vector_load %arg10[%swap3A_61, %swap3A_62] {strides = array<i32>} : memref<16x32xf32, #tpu.memory_space<vmem>>, vector<16xf32>,
    tpu.vector_store %arg10[%swap3A_61, %swap3A_62], %broadcast_in_dim3A_0 {strides = array<i32>} : memref<16x32xf32, #tpu.memory_space<vmem>>, vector<16xf32>,
    %swap3A_64 = arith.constant 8 : i32
    %swap3A_65 = arith.index_cast %swap3A_64 : i32 to index
    %swap3A_66 = arith.constant 0 : index
    %swap3A_67 = tpu.vector_load %arg10[%swap3A_65, %swap3A_66] {strides = array<i32>} : memref<16x32xf32, #tpu.memory_space<vmem>>, vector<16xf32>,
    tpu.vector_store %arg10[%swap3A_65, %swap3A_66], %broadcast_in_dim3A_0 {strides = array<i32>} : memref<16x32xf32, #tpu.memory_space<vmem>>, vector<16xf32>,
    %swap3A_68 = arith.constant 8 : i32
    %swap3A_69 = arith.index_cast %swap3A_68 : i32 to index
    %swap3A_70 = arith.constant 16 : index
    %swap3A_71 = tpu.vector_load %arg10[%swap3A_69, %swap3A_70] {strides = array<i32>} : memref<16x32xf32, #tpu.memory_space<vmem>>, vector<16xf32>,
    tpu.vector_store %arg10[%swap3A_69, %swap3A_70], %broadcast_in_dim3A_0 {strides = array<i32>} : memref<16x32xf32, #tpu.memory_space<vmem>>, vector<16xf32>,
    %swap3A_72 = arith.constant 9 : i32
    %swap3A_73 = arith.index_cast %swap3A_72 : i32 to index
    %swap3A_74 = arith.constant 0 : index
    %swap3A_75 = tpu.vector_load %arg10[%swap3A_73, %swap3A_74] {strides = array<i32>} : memref<16x32xf32, #tpu.memory_space<vmem>>, vector<16xf32>,
    tpu.vector_store %arg10[%swap3A_73, %swap3A_74], %broadcast_in_dim3A_0 {strides = array<i32>} : memref<16x32xf32, #tpu.memory_space<vmem>>, vector<16xf32>,
    %swap3A_76 = arith.constant 9 : i32
    %swap3A_77 = arith.index_cast %swap3A_76 : i32 to index
    %swap3A_78 = arith.constant 16 : index
    %swap3A_79 = tpu.vector_load %arg10[%swap3A_77, %swap3A_78] {strides = array<i32>} : memref<16x32xf32, #tpu.memory_space<vmem>>, vector<16xf32>,
    tpu.vector_store %arg10[%swap3A_77, %swap3A_78], %broadcast_in_dim3A_0 {strides = array<i32>} : memref<16x32xf32, #tpu.memory_space<vmem>>, vector<16xf32>,
    %swap3A_80 = arith.constant 10 : i32
    %swap3A_81 = arith.index_cast %swap3A_80 : i32 to index
    %swap3A_82 = arith.constant 0 : index
    %swap3A_83 = tpu.vector_load %arg10[%swap3A_81, %swap3A_82] {strides = array<i32>} : memref<16x32xf32, #tpu.memory_space<vmem>>, vector<16xf32>,
    tpu.vector_store %arg10[%swap3A_81, %swap3A_82], %broadcast_in_dim3A_0 {strides = array<i32>} : memref<16x32xf32, #tpu.memory_space<vmem>>, vector<16xf32>,
    %swap3A_84 = arith.constant 10 : i32
    %swap3A_85 = arith.index_cast %swap3A_84 : i32 to index
    %swap3A_86 = arith.constant 16 : index
    %swap3A_87 = tpu.vector_load %arg10[%swap3A_85, %swap3A_86] {strides = array<i32>} : memref<16x32xf32, #tpu.memory_space<vmem>>, vector<16xf32>,
    tpu.vector_store %arg10[%swap3A_85, %swap3A_86], %broadcast_in_dim3A_0 {strides = array<i32>} : memref<16x32xf32, #tpu.memory_space<vmem>>, vector<16xf32>,
    %swap3A_88 = arith.constant 11 : i32
    %swap3A_89 = arith.index_cast %swap3A_88 : i32 to index
    %swap3A_90 = arith.constant 0 : index
    %swap3A_91 = tpu.vector_load %arg10[%swap3A_89, %swap3A_90] {strides = array<i32>} : memref<16x32xf32, #tpu.memory_space<vmem>>, vector<16xf32>,
    tpu.vector_store %arg10[%swap3A_89, %swap3A_90], %broadcast_in_dim3A_0 {strides = array<i32>} : memref<16x32xf32, #tpu.memory_space<vmem>>, vector<16xf32>,
    %swap3A_92 = arith.constant 11 : i32
    %swap3A_93 = arith.index_cast %swap3A_92 : i32 to index
    %swap3A_94 = arith.constant 16 : index
    %swap3A_95 = tpu.vector_load %arg10[%swap3A_93, %swap3A_94] {strides = array<i32>} : memref<16x32xf32, #tpu.memory_space<vmem>>, vector<16xf32>,
    tpu.vector_store %arg10[%swap3A_93, %swap3A_94], %broadcast_in_dim3A_0 {strides = array<i32>} : memref<16x32xf32, #tpu.memory_space<vmem>>, vector<16xf32>,
    %swap3A_96 = arith.constant 12 : i32
    %swap3A_97 = arith.index_cast %swap3A_96 : i32 to index
    %swap3A_98 = arith.constant 0 : index
    %swap3A_99 = tpu.vector_load %arg10[%swap3A_97, %swap3A_98] {strides = array<i32>} : memref<16x32xf32, #tpu.memory_space<vmem>>, vector<16xf32>,
    tpu.vector_store %arg10[%swap3A_97, %swap3A_98], %broadcast_in_dim3A_0 {strides = array<i32>} : memref<16x32xf32, #tpu.memory_space<vmem>>, vector<16xf32>,
    %swap3A_100 = arith.constant 12 : i32
    %swap3A_101 = arith.index_cast %swap3A_100 : i32 to index
    %swap3A_102 = arith.constant 16 : index
    %swap3A_103 = tpu.vector_load %arg10[%swap3A_101, %swap3A_102] {strides = array<i32>} : memref<16x32xf32, #tpu.memory_space<vmem>>, vector<16xf32>,
    tpu.vector_store %arg10[%swap3A_101, %swap3A_102], %broadcast_in_dim3A_0 {strides = array<i32>} : memref<16x32xf32, #tpu.memory_space<vmem>>, vector<16xf32>,
    %swap3A_104 = arith.constant 13 : i32
    %swap3A_105 = arith.index_cast %swap3A_104 : i32 to index
    %swap3A_106 = arith.constant 0 : index
    %swap3A_107 = tpu.vector_load %arg10[%swap3A_105, %swap3A_106] {strides = array<i32>} : memref<16x32xf32, #tpu.memory_space<vmem>>, vector<16xf32>,
    tpu.vector_store %arg10[%swap3A_105, %swap3A_106], %broadcast_in_dim3A_0 {strides = array<i32>} : memref<16x32xf32, #tpu.memory_space<vmem>>, vector<16xf32>,
    %swap3A_108 = arith.constant 13 : i32
    %swap3A_109 = arith.index_cast %swap3A_108 : i32 to index
    %swap3A_110 = arith.constant 16 : index
    %swap3A_111 = tpu.vector_load %arg10[%swap3A_109, %swap3A_110] {strides = array<i32>} : memref<16x32xf32, #tpu.memory_space<vmem>>, vector<16xf32>,
    tpu.vector_store %arg10[%swap3A_109, %swap3A_110], %broadcast_in_dim3A_0 {strides = array<i32>} : memref<16x32xf32, #tpu.memory_space<vmem>>, vector<16xf32>,
    %swap3A_112 = arith.constant 14 : i32
    %swap3A_113 = arith.index_cast %swap3A_112 : i32 to index
    %swap3A_114 = arith.constant 0 : index
    %swap3A_115 = tpu.vector_load %arg10[%swap3A_113, %swap3A_114] {strides = array<i32>} : memref<16x32xf32, #tpu.memory_space<vmem>>, vector<16xf32>,
    tpu.vector_store %arg10[%swap3A_113, %swap3A_114], %broadcast_in_dim3A_0 {strides = array<i32>} : memref<16x32xf32, #tpu.memory_space<vmem>>, vector<16xf32>,
    %swap3A_116 = arith.constant 14 : i32
    %swap3A_117 = arith.index_cast %swap3A_116 : i32 to index
    %swap3A_118 = arith.constant 16 : index
    %swap3A_119 = tpu.vector_load %arg10[%swap3A_117, %swap3A_118] {strides = array<i32>} : memref<16x32xf32, #tpu.memory_space<vmem>>, vector<16xf32>,
    tpu.vector_store %arg10[%swap3A_117, %swap3A_118], %broadcast_in_dim3A_0 {strides = array<i32>} : memref<16x32xf32, #tpu.memory_space<vmem>>, vector<16xf32>,
    %swap3A_120 = arith.constant 15 : i32
    %swap3A_121 = arith.index_cast %swap3A_120 : i32 to index
    %swap3A_122 = arith.constant 0 : index
    %swap3A_123 = tpu.vector_load %arg10[%swap3A_121, %swap3A_122] {strides = array<i32>} : memref<16x32xf32, #tpu.memory_space<vmem>>, vector<16xf32>,
    tpu.vector_store %arg10[%swap3A_121, %swap3A_122], %broadcast_in_dim3A_0 {strides = array<i32>} : memref<16x32xf32, #tpu.memory_space<vmem>>, vector<16xf32>,
    %swap3A_124 = arith.constant 15 : i32
    %swap3A_125 = arith.index_cast %swap3A_124 : i32 to index
    %swap3A_126 = arith.constant 16 : index
    %swap3A_127 = tpu.vector_load %arg10[%swap3A_125, %swap3A_126] {strides = array<i32>} : memref<16x32xf32, #tpu.memory_space<vmem>>, vector<16xf32>,
    tpu.vector_store %arg10[%swap3A_125, %swap3A_126], %broadcast_in_dim3A_0 {strides = array<i32>} : memref<16x32xf32, #tpu.memory_space<vmem>>, vector<16xf32>,
    %scan3A = arith.constant 0 : i32
    %scan3A_128 = arith.constant 40 : i32
    %scan3A_129 = arith.addi %scan3A, %scan3A_128 : i32
    %scan3A_130 = arith.constant 1 : i32
    scf.for %scan3A_168 = %scan3A to %scan3A_129 step %scan3A_130  : i32 {
      %mul3A_169 = arith.constant 1 : i32
      %mul3A_170 = arith.muli %scan3A_168, %mul3A_169 : i32
      %add3A = arith.constant 0 : i32
      %add3A_171 = arith.addi %add3A, %mul3A_170 : i32
      %mul3A_172 = arith.constant 640 : i32
      %mul3A_173 = arith.muli %arg1, %mul3A_172 : i32
      %mul3A_174 = arith.constant 16 : i32
      %mul3A_175 = arith.muli %add3A_171, %mul3A_174 : i32
      %add3A_176 = arith.addi %mul3A_173, %mul3A_175 : i32
      "tpu.region"() ({
        %run_scoped3A_177 = tpu.sem_alloc : memref<!tpu.dma_semaphore, #tpu.memory_space<semaphore_mem>>
        %dma_start3A_178 = arith.constant 0 : i32
        %dma_start3A_179 = tpu.memref_slice %arg11[%add3A_176, %dma_start3A_178] : memref<10240x32xf32, #tpu.memory_space<vmem_shared>> -> memref<16x32xf32, #tpu.memory_space<vmem_shared>>
        %dma_start3A_180 = arith.constant 0 : i32
        %dma_start3A_181 = tpu.memref_slice %arg11[%add3A_176, %dma_start3A_180] : memref<10240x32xf32, #tpu.memory_space<vmem_shared>> -> memref<16x32xf32, #tpu.memory_space<vmem_shared>>
        tpu.enqueue_dma source(%arg10 : memref<16x32xf32, #tpu.memory_space<vmem>>) target(%dma_start3A_181 : memref<16x32xf32, #tpu.memory_space<vmem_shared>>) target_semaphore(%run_scoped3A_177 : memref<!tpu.dma_semaphore, #tpu.memory_space<semaphore_mem>>)
        %dma_wait3A_182 = arith.constant 0 : i32
        %dma_wait3A_183 = tpu.memref_slice %arg11[%add3A_176, %dma_wait3A_182] : memref<10240x32xf32, #tpu.memory_space<vmem_shared>> -> memref<16x32xf32, #tpu.memory_space<vmem_shared>>
        %dma_wait3A_184 = arith.constant 0 : i32
        %dma_wait3A_185 = tpu.memref_slice %arg11[%add3A_176, %dma_wait3A_184] : memref<10240x32xf32, #tpu.memory_space<vmem_shared>> -> memref<16x32xf32, #tpu.memory_space<vmem_shared>>
        tpu.wait_dma2 semaphore(%run_scoped3A_177 : memref<!tpu.dma_semaphore, #tpu.memory_space<semaphore_mem>>) src(%arg10 : memref<16x32xf32, #tpu.memory_space<vmem>>) dst(%dma_wait3A_185 : memref<16x32xf32, #tpu.memory_space<vmem_shared>>)
        tpu.yield
      }) : () -> ()
    }
    %scan3A_131 = arith.constant 40 : i32
    "tpu.region"() ({
      %run_scoped3A_168 = tpu.sem_alloc : memref<!tpu.dma_semaphore, #tpu.memory_space<semaphore_mem>>
      %dma_start3A_169 = arith.constant 0 : i32
      %dma_start3A_170 = arith.constant 0 : i32
      %dma_start3A_171 = tpu.memref_slice %arg3[%arg0, %arg1, %dma_start3A_169, %dma_start3A_170] : memref<2x16x158x128xi32, #tpu.memory_space<hbm>> -> memref<1x1x158x128xi32, #tpu.memory_space<hbm>>
      %dma_start3A_172 = tpu.memref_squeeze %dma_start3A_171 : memref<1x1x158x128xi32, #tpu.memory_space<hbm>> -> memref<158x128xi32, #tpu.memory_space<hbm>>
      %dma_start3A_173 = arith.constant 0 : i32
      %dma_start3A_174 = arith.constant 0 : i32
      %dma_start3A_175 = tpu.memref_slice %arg3[%arg0, %arg1, %dma_start3A_173, %dma_start3A_174] : memref<2x16x158x128xi32, #tpu.memory_space<hbm>> -> memref<1x1x158x128xi32, #tpu.memory_space<hbm>>
      %dma_start3A_176 = tpu.memref_squeeze %dma_start3A_175 : memref<1x1x158x128xi32, #tpu.memory_space<hbm>> -> memref<158x128xi32, #tpu.memory_space<hbm>>
      tpu.enqueue_dma source(%dma_start3A_176 : memref<158x128xi32, #tpu.memory_space<hbm>>) target(%arg6 : memref<158x128xi32, #tpu.memory_space<vmem>>) target_semaphore(%run_scoped3A_168 : memref<!tpu.dma_semaphore, #tpu.memory_space<semaphore_mem>>)
      %dma_wait3A_177 = arith.constant 0 : i32
      %dma_wait3A_178 = arith.constant 0 : i32
      %dma_wait3A_179 = tpu.memref_slice %arg3[%arg0, %arg1, %dma_wait3A_177, %dma_wait3A_178] : memref<2x16x158x128xi32, #tpu.memory_space<hbm>> -> memref<1x1x158x128xi32, #tpu.memory_space<hbm>>
      %dma_wait3A_180 = tpu.memref_squeeze %dma_wait3A_179 : memref<1x1x158x128xi32, #tpu.memory_space<hbm>> -> memref<158x128xi32, #tpu.memory_space<hbm>>
      %dma_wait3A_181 = arith.constant 0 : i32
      %dma_wait3A_182 = arith.constant 0 : i32
      %dma_wait3A_183 = tpu.memref_slice %arg3[%arg0, %arg1, %dma_wait3A_181, %dma_wait3A_182] : memref<2x16x158x128xi32, #tpu.memory_space<hbm>> -> memref<1x1x158x128xi32, #tpu.memory_space<hbm>>
      %dma_wait3A_184 = tpu.memref_squeeze %dma_wait3A_183 : memref<1x1x158x128xi32, #tpu.memory_space<hbm>> -> memref<158x128xi32, #tpu.memory_space<hbm>>
      tpu.wait_dma2 semaphore(%run_scoped3A_168 : memref<!tpu.dma_semaphore, #tpu.memory_space<semaphore_mem>>) src(%dma_wait3A_184 : memref<158x128xi32, #tpu.memory_space<hbm>>) dst(%arg6 : memref<158x128xi32, #tpu.memory_space<vmem>>)
      tpu.yield
    }) : () -> ()
    "tpu.region"() ({
      %run_scoped3A_168 = tpu.sem_alloc : memref<!tpu.dma_semaphore, #tpu.memory_space<semaphore_mem>>
      %dma_start3A_169 = arith.constant 0 : i32
      %dma_start3A_170 = arith.constant 0 : i32
      %dma_start3A_171 = tpu.memref_slice %arg4[%arg1, %dma_start3A_169, %dma_start3A_170] : memref<16x158x128xi32, #tpu.memory_space<hbm>> -> memref<1x158x128xi32, #tpu.memory_space<hbm>>
      %dma_start3A_172 = tpu.memref_squeeze %dma_start3A_171 : memref<1x158x128xi32, #tpu.memory_space<hbm>> -> memref<158x128xi32, #tpu.memory_space<hbm>>
      %dma_start3A_173 = arith.constant 0 : i32
      %dma_start3A_174 = arith.constant 0 : i32
      %dma_start3A_175 = tpu.memref_slice %arg4[%arg1, %dma_start3A_173, %dma_start3A_174] : memref<16x158x128xi32, #tpu.memory_space<hbm>> -> memref<1x158x128xi32, #tpu.memory_space<hbm>>
      %dma_start3A_176 = tpu.memref_squeeze %dma_start3A_175 : memref<1x158x128xi32, #tpu.memory_space<hbm>> -> memref<158x128xi32, #tpu.memory_space<hbm>>
      tpu.enqueue_dma source(%dma_start3A_176 : memref<158x128xi32, #tpu.memory_space<hbm>>) target(%arg7 : memref<158x128xi32, #tpu.memory_space<vmem>>) target_semaphore(%run_scoped3A_168 : memref<!tpu.dma_semaphore, #tpu.memory_space<semaphore_mem>>)
      %dma_wait3A_177 = arith.constant 0 : i32
      %dma_wait3A_178 = arith.constant 0 : i32
      %dma_wait3A_179 = tpu.memref_slice %arg4[%arg1, %dma_wait3A_177, %dma_wait3A_178] : memref<16x158x128xi32, #tpu.memory_space<hbm>> -> memref<1x158x128xi32, #tpu.memory_space<hbm>>
      %dma_wait3A_180 = tpu.memref_squeeze %dma_wait3A_179 : memref<1x158x128xi32, #tpu.memory_space<hbm>> -> memref<158x128xi32, #tpu.memory_space<hbm>>
      %dma_wait3A_181 = arith.constant 0 : i32
      %dma_wait3A_182 = arith.constant 0 : i32
      %dma_wait3A_183 = tpu.memref_slice %arg4[%arg1, %dma_wait3A_181, %dma_wait3A_182] : memref<16x158x128xi32, #tpu.memory_space<hbm>> -> memref<1x158x128xi32, #tpu.memory_space<hbm>>
      %dma_wait3A_184 = tpu.memref_squeeze %dma_wait3A_183 : memref<1x158x128xi32, #tpu.memory_space<hbm>> -> memref<158x128xi32, #tpu.memory_space<hbm>>
      tpu.wait_dma2 semaphore(%run_scoped3A_168 : memref<!tpu.dma_semaphore, #tpu.memory_space<semaphore_mem>>) src(%dma_wait3A_184 : memref<158x128xi32, #tpu.memory_space<hbm>>) dst(%arg7 : memref<158x128xi32, #tpu.memory_space<vmem>>)
      tpu.yield
    }) : () -> ()
    %barrier3A = arith.constant 0 : index
    tpu.barrier barrier_id(%barrier3A)
    %dma_start3A = arith.constant 0 : i32
    %dma_start3A_132 = arith.constant 0 : i32
    %dma_start3A_133 = tpu.memref_slice %arg6[%dma_start3A, %dma_start3A_132] : memref<158x128xi32, #tpu.memory_space<vmem>> -> memref<1x128xi32, #tpu.memory_space<vmem>>
    %dma_start3A_134 = tpu.memref_squeeze %dma_start3A_133 : memref<1x128xi32, #tpu.memory_space<vmem>> -> memref<128xi32, #tpu.memory_space<vmem>>
    %dma_start3A_135 = arith.constant 0 : i32
    %dma_start3A_136 = arith.constant 0 : i32
    %dma_start3A_137 = tpu.memref_slice %arg2[%dma_start3A_135, %dma_start3A_136] : memref<20480x32xf32, #tpu.memory_space<hbm>> -> memref<20480x32xf32, #tpu.memory_space<hbm>>
    tpu.enqueue_indirect_dma source(%dma_start3A_137 : memref<20480x32xf32, #tpu.memory_space<hbm>>) target(%arg8 : memref<128x32xf32, #tpu.memory_space<vmem>>) offsets(%dma_start3A_134 : memref<128xi32, #tpu.memory_space<vmem>>) semaphore(%arg12 : memref<!tpu.dma_semaphore, #tpu.memory_space<semaphore_mem>>)
    %dma_start3A_138 = arith.constant 1 : i32
    %dma_start3A_139 = arith.constant 0 : i32
    %dma_start3A_140 = tpu.memref_slice %arg6[%dma_start3A_138, %dma_start3A_139] : memref<158x128xi32, #tpu.memory_space<vmem>> -> memref<1x128xi32, #tpu.memory_space<vmem>>
    %dma_start3A_141 = tpu.memref_squeeze %dma_start3A_140 : memref<1x128xi32, #tpu.memory_space<vmem>> -> memref<128xi32, #tpu.memory_space<vmem>>
    %dma_start3A_142 = arith.constant 0 : i32
    %dma_start3A_143 = arith.constant 0 : i32
    %dma_start3A_144 = tpu.memref_slice %arg2[%dma_start3A_142, %dma_start3A_143] : memref<20480x32xf32, #tpu.memory_space<hbm>> -> memref<20480x32xf32, #tpu.memory_space<hbm>>
    tpu.enqueue_indirect_dma source(%dma_start3A_144 : memref<20480x32xf32, #tpu.memory_space<hbm>>) target(%arg9 : memref<128x32xf32, #tpu.memory_space<vmem>>) offsets(%dma_start3A_141 : memref<128xi32, #tpu.memory_space<vmem>>) semaphore(%arg13 : memref<!tpu.dma_semaphore, #tpu.memory_space<semaphore_mem>>)
    %scan3A_145 = arith.constant 0 : i32
    %scan3A_146 = arith.constant 78 : i32
    %scan3A_147 = arith.addi %scan3A_145, %scan3A_146 : i32
    %scan3A_148 = arith.constant 1 : i32
    scf.for %scan3A_168 = %scan3A_145 to %scan3A_147 step %scan3A_148  : i32 {
      %mul3A_169 = arith.constant 1 : i32
      %mul3A_170 = arith.muli %scan3A_168, %mul3A_169 : i32
      %add3A = arith.constant 0 : i32
      %add3A_171 = arith.addi %add3A, %mul3A_170 : i32
      %mul3A_172 = arith.constant 2 : i32
      %mul3A_173 = arith.muli %mul3A_172, %add3A_171 : i32
      %dma_wait3A_174 = arith.constant 0 : i32
      %dma_wait3A_175 = tpu.memref_slice %arg6[%mul3A_173, %dma_wait3A_174] : memref<158x128xi32, #tpu.memory_space<vmem>> -> memref<1x128xi32, #tpu.memory_space<vmem>>
      %dma_wait3A_176 = tpu.memref_squeeze %dma_wait3A_175 : memref<1x128xi32, #tpu.memory_space<vmem>> -> memref<128xi32, #tpu.memory_space<vmem>>
      %dma_wait3A_177 = arith.constant 0 : i32
      %dma_wait3A_178 = arith.constant 0 : i32
      %dma_wait3A_179 = tpu.memref_slice %arg2[%dma_wait3A_177, %dma_wait3A_178] : memref<20480x32xf32, #tpu.memory_space<hbm>> -> memref<20480x32xf32, #tpu.memory_space<hbm>>
      tpu.wait_indirect_dma semaphore(%arg12 : memref<!tpu.dma_semaphore, #tpu.memory_space<semaphore_mem>>) src(%dma_wait3A_179 : memref<20480x32xf32, #tpu.memory_space<hbm>>) dst(%arg8 : memref<128x32xf32, #tpu.memory_space<vmem>>)
      "tpu.region"() ({
        %run_scoped3A_206 = tpu.sem_alloc : memref<!tpu.dma_semaphore, #tpu.memory_space<semaphore_mem>>
        %dma_start3A_207 = arith.constant 0 : i32
        %dma_start3A_208 = tpu.memref_slice %arg7[%mul3A_173, %dma_start3A_207] : memref<158x128xi32, #tpu.memory_space<vmem>> -> memref<1x128xi32, #tpu.memory_space<vmem>>
        %dma_start3A_209 = tpu.memref_squeeze %dma_start3A_208 : memref<1x128xi32, #tpu.memory_space<vmem>> -> memref<128xi32, #tpu.memory_space<vmem>>
        %dma_start3A_210 = arith.constant 0 : i32
        %dma_start3A_211 = arith.constant 0 : i32
        %dma_start3A_212 = tpu.memref_slice %arg11[%dma_start3A_210, %dma_start3A_211] : memref<10240x32xf32, #tpu.memory_space<vmem_shared>> -> memref<10240x32xf32, #tpu.memory_space<vmem_shared>>
        tpu.enqueue_indirect_dma source(%arg8 : memref<128x32xf32, #tpu.memory_space<vmem>>) target(%dma_start3A_212 : memref<10240x32xf32, #tpu.memory_space<vmem_shared>>) offsets(%dma_start3A_209 : memref<128xi32, #tpu.memory_space<vmem>>) semaphore(%run_scoped3A_206 : memref<!tpu.dma_semaphore, #tpu.memory_space<semaphore_mem>>) {add = true}
        %dma_wait3A_213 = arith.constant 0 : i32
        %dma_wait3A_214 = tpu.memref_slice %arg7[%mul3A_173, %dma_wait3A_213] : memref<158x128xi32, #tpu.memory_space<vmem>> -> memref<1x128xi32, #tpu.memory_space<vmem>>
        %dma_wait3A_215 = tpu.memref_squeeze %dma_wait3A_214 : memref<1x128xi32, #tpu.memory_space<vmem>> -> memref<128xi32, #tpu.memory_space<vmem>>
        %dma_wait3A_216 = arith.constant 0 : i32
        %dma_wait3A_217 = arith.constant 0 : i32
        %dma_wait3A_218 = tpu.memref_slice %arg11[%dma_wait3A_216, %dma_wait3A_217] : memref<10240x32xf32, #tpu.memory_space<vmem_shared>> -> memref<10240x32xf32, #tpu.memory_space<vmem_shared>>
        tpu.wait_indirect_dma semaphore(%run_scoped3A_206 : memref<!tpu.dma_semaphore, #tpu.memory_space<semaphore_mem>>) src(%arg8 : memref<128x32xf32, #tpu.memory_space<vmem>>) dst(%dma_wait3A_218 : memref<10240x32xf32, #tpu.memory_space<vmem_shared>>)
        tpu.yield
      }) : () -> ()
      %add3A_180 = arith.constant 2 : i32
      %add3A_181 = arith.addi %mul3A_173, %add3A_180 : i32
      %dma_start3A_182 = arith.constant 0 : i32
      %dma_start3A_183 = tpu.memref_slice %arg6[%add3A_181, %dma_start3A_182] : memref<158x128xi32, #tpu.memory_space<vmem>> -> memref<1x128xi32, #tpu.memory_space<vmem>>
      %dma_start3A_184 = tpu.memref_squeeze %dma_start3A_183 : memref<1x128xi32, #tpu.memory_space<vmem>> -> memref<128xi32, #tpu.memory_space<vmem>>
      %dma_start3A_185 = arith.constant 0 : i32
      %dma_start3A_186 = arith.constant 0 : i32
      %dma_start3A_187 = tpu.memref_slice %arg2[%dma_start3A_185, %dma_start3A_186] : memref<20480x32xf32, #tpu.memory_space<hbm>> -> memref<20480x32xf32, #tpu.memory_space<hbm>>
      tpu.enqueue_indirect_dma source(%dma_start3A_187 : memref<20480x32xf32, #tpu.memory_space<hbm>>) target(%arg8 : memref<128x32xf32, #tpu.memory_space<vmem>>) offsets(%dma_start3A_184 : memref<128xi32, #tpu.memory_space<vmem>>) semaphore(%arg12 : memref<!tpu.dma_semaphore, #tpu.memory_space<semaphore_mem>>)
      %add3A_188 = arith.constant 1 : i32
      %add3A_189 = arith.addi %mul3A_173, %add3A_188 : i32
      %dma_wait3A_190 = arith.constant 0 : i32
      %dma_wait3A_191 = tpu.memref_slice %arg6[%add3A_189, %dma_wait3A_190] : memref<158x128xi32, #tpu.memory_space<vmem>> -> memref<1x128xi32, #tpu.memory_space<vmem>>
      %dma_wait3A_192 = tpu.memref_squeeze %dma_wait3A_191 : memref<1x128xi32, #tpu.memory_space<vmem>> -> memref<128xi32, #tpu.memory_space<vmem>>
      %dma_wait3A_193 = arith.constant 0 : i32
      %dma_wait3A_194 = arith.constant 0 : i32
      %dma_wait3A_195 = tpu.memref_slice %arg2[%dma_wait3A_193, %dma_wait3A_194] : memref<20480x32xf32, #tpu.memory_space<hbm>> -> memref<20480x32xf32, #tpu.memory_space<hbm>>
      tpu.wait_indirect_dma semaphore(%arg13 : memref<!tpu.dma_semaphore, #tpu.memory_space<semaphore_mem>>) src(%dma_wait3A_195 : memref<20480x32xf32, #tpu.memory_space<hbm>>) dst(%arg9 : memref<128x32xf32, #tpu.memory_space<vmem>>)
      %add3A_196 = arith.constant 1 : i32
      %add3A_197 = arith.addi %mul3A_173, %add3A_196 : i32
      "tpu.region"() ({
        %run_scoped3A_206 = tpu.sem_alloc : memref<!tpu.dma_semaphore, #tpu.memory_space<semaphore_mem>>
        %dma_start3A_207 = arith.constant 0 : i32
        %dma_start3A_208 = tpu.memref_slice %arg7[%add3A_197, %dma_start3A_207] : memref<158x128xi32, #tpu.memory_space<vmem>> -> memref<1x128xi32, #tpu.memory_space<vmem>>
        %dma_start3A_209 = tpu.memref_squeeze %dma_start3A_208 : memref<1x128xi32, #tpu.memory_space<vmem>> -> memref<128xi32, #tpu.memory_space<vmem>>
        %dma_start3A_210 = arith.constant 0 : i32
        %dma_start3A_211 = arith.constant 0 : i32
        %dma_start3A_212 = tpu.memref_slice %arg11[%dma_start3A_210, %dma_start3A_211] : memref<10240x32xf32, #tpu.memory_space<vmem_shared>> -> memref<10240x32xf32, #tpu.memory_space<vmem_shared>>
        tpu.enqueue_indirect_dma source(%arg9 : memref<128x32xf32, #tpu.memory_space<vmem>>) target(%dma_start3A_212 : memref<10240x32xf32, #tpu.memory_space<vmem_shared>>) offsets(%dma_start3A_209 : memref<128xi32, #tpu.memory_space<vmem>>) semaphore(%run_scoped3A_206 : memref<!tpu.dma_semaphore, #tpu.memory_space<semaphore_mem>>) {add = true}
        %dma_wait3A_213 = arith.constant 0 : i32
        %dma_wait3A_214 = tpu.memref_slice %arg7[%add3A_197, %dma_wait3A_213] : memref<158x128xi32, #tpu.memory_space<vmem>> -> memref<1x128xi32, #tpu.memory_space<vmem>>
        %dma_wait3A_215 = tpu.memref_squeeze %dma_wait3A_214 : memref<1x128xi32, #tpu.memory_space<vmem>> -> memref<128xi32, #tpu.memory_space<vmem>>
        %dma_wait3A_216 = arith.constant 0 : i32
        %dma_wait3A_217 = arith.constant 0 : i32
        %dma_wait3A_218 = tpu.memref_slice %arg11[%dma_wait3A_216, %dma_wait3A_217] : memref<10240x32xf32, #tpu.memory_space<vmem_shared>> -> memref<10240x32xf32, #tpu.memory_space<vmem_shared>>
        tpu.wait_indirect_dma semaphore(%run_scoped3A_206 : memref<!tpu.dma_semaphore, #tpu.memory_space<semaphore_mem>>) src(%arg9 : memref<128x32xf32, #tpu.memory_space<vmem>>) dst(%dma_wait3A_218 : memref<10240x32xf32, #tpu.memory_space<vmem_shared>>)
        tpu.yield
      }) : () -> ()
      %add3A_198 = arith.constant 3 : i32
      %add3A_199 = arith.addi %mul3A_173, %add3A_198 : i32
      %dma_start3A_200 = arith.constant 0 : i32
      %dma_start3A_201 = tpu.memref_slice %arg6[%add3A_199, %dma_start3A_200] : memref<158x128xi32, #tpu.memory_space<vmem>> -> memref<1x128xi32, #tpu.memory_space<vmem>>
      %dma_start3A_202 = tpu.memref_squeeze %dma_start3A_201 : memref<1x128xi32, #tpu.memory_space<vmem>> -> memref<128xi32, #tpu.memory_space<vmem>>
      %dma_start3A_203 = arith.constant 0 : i32
      %dma_start3A_204 = arith.constant 0 : i32
      %dma_start3A_205 = tpu.memref_slice %arg2[%dma_start3A_203, %dma_start3A_204] : memref<20480x32xf32, #tpu.memory_space<hbm>> -> memref<20480x32xf32, #tpu.memory_space<hbm>>
      tpu.enqueue_indirect_dma source(%dma_start3A_205 : memref<20480x32xf32, #tpu.memory_space<hbm>>) target(%arg9 : memref<128x32xf32, #tpu.memory_space<vmem>>) offsets(%dma_start3A_202 : memref<128xi32, #tpu.memory_space<vmem>>) semaphore(%arg13 : memref<!tpu.dma_semaphore, #tpu.memory_space<semaphore_mem>>)
    }
    %scan3A_149 = arith.constant 78 : i32
    %dma_wait3A = arith.constant 156 : i32
    %dma_wait3A_150 = arith.constant 0 : i32
    %dma_wait3A_151 = tpu.memref_slice %arg6[%dma_wait3A, %dma_wait3A_150] : memref<158x128xi32, #tpu.memory_space<vmem>> -> memref<1x128xi32, #tpu.memory_space<vmem>>
    %dma_wait3A_152 = tpu.memref_squeeze %dma_wait3A_151 : memref<1x128xi32, #tpu.memory_space<vmem>> -> memref<128xi32, #tpu.memory_space<vmem>>
    %dma_wait3A_153 = arith.constant 0 : i32
    %dma_wait3A_154 = arith.constant 0 : i32
    %dma_wait3A_155 = tpu.memref_slice %arg2[%dma_wait3A_153, %dma_wait3A_154] : memref<20480x32xf32, #tpu.memory_space<hbm>> -> memref<20480x32xf32, #tpu.memory_space<hbm>>
    tpu.wait_indirect_dma semaphore(%arg12 : memref<!tpu.dma_semaphore, #tpu.memory_space<semaphore_mem>>) src(%dma_wait3A_155 : memref<20480x32xf32, #tpu.memory_space<hbm>>) dst(%arg8 : memref<128x32xf32, #tpu.memory_space<vmem>>)
    %run_scoped3A = arith.constant 156 : i32
    "tpu.region"() ({
      %run_scoped3A_168 = tpu.sem_alloc : memref<!tpu.dma_semaphore, #tpu.memory_space<semaphore_mem>>
      %dma_start3A_169 = arith.constant 0 : i32
      %dma_start3A_170 = tpu.memref_slice %arg7[%run_scoped3A, %dma_start3A_169] : memref<158x128xi32, #tpu.memory_space<vmem>> -> memref<1x128xi32, #tpu.memory_space<vmem>>
      %dma_start3A_171 = tpu.memref_squeeze %dma_start3A_170 : memref<1x128xi32, #tpu.memory_space<vmem>> -> memref<128xi32, #tpu.memory_space<vmem>>
      %dma_start3A_172 = arith.constant 0 : i32
      %dma_start3A_173 = arith.constant 0 : i32
      %dma_start3A_174 = tpu.memref_slice %arg11[%dma_start3A_172, %dma_start3A_173] : memref<10240x32xf32, #tpu.memory_space<vmem_shared>> -> memref<10240x32xf32, #tpu.memory_space<vmem_shared>>
      tpu.enqueue_indirect_dma source(%arg8 : memref<128x32xf32, #tpu.memory_space<vmem>>) target(%dma_start3A_174 : memref<10240x32xf32, #tpu.memory_space<vmem_shared>>) offsets(%dma_start3A_171 : memref<128xi32, #tpu.memory_space<vmem>>) semaphore(%run_scoped3A_168 : memref<!tpu.dma_semaphore, #tpu.memory_space<semaphore_mem>>) {add = true}
      %dma_wait3A_175 = arith.constant 0 : i32
      %dma_wait3A_176 = tpu.memref_slice %arg7[%run_scoped3A, %dma_wait3A_175] : memref<158x128xi32, #tpu.memory_space<vmem>> -> memref<1x128xi32, #tpu.memory_space<vmem>>
      %dma_wait3A_177 = tpu.memref_squeeze %dma_wait3A_176 : memref<1x128xi32, #tpu.memory_space<vmem>> -> memref<128xi32, #tpu.memory_space<vmem>>
      %dma_wait3A_178 = arith.constant 0 : i32
      %dma_wait3A_179 = arith.constant 0 : i32
      %dma_wait3A_180 = tpu.memref_slice %arg11[%dma_wait3A_178, %dma_wait3A_179] : memref<10240x32xf32, #tpu.memory_space<vmem_shared>> -> memref<10240x32xf32, #tpu.memory_space<vmem_shared>>
      tpu.wait_indirect_dma semaphore(%run_scoped3A_168 : memref<!tpu.dma_semaphore, #tpu.memory_space<semaphore_mem>>) src(%arg8 : memref<128x32xf32, #tpu.memory_space<vmem>>) dst(%dma_wait3A_180 : memref<10240x32xf32, #tpu.memory_space<vmem_shared>>)
      tpu.yield
    }) : () -> ()
    %dma_wait3A_156 = arith.constant 157 : i32
    %dma_wait3A_157 = arith.constant 0 : i32
    %dma_wait3A_158 = tpu.memref_slice %arg6[%dma_wait3A_156, %dma_wait3A_157] : memref<158x128xi32, #tpu.memory_space<vmem>> -> memref<1x128xi32, #tpu.memory_space<vmem>>
    %dma_wait3A_159 = tpu.memref_squeeze %dma_wait3A_158 : memref<1x128xi32, #tpu.memory_space<vmem>> -> memref<128xi32, #tpu.memory_space<vmem>>
    %dma_wait3A_160 = arith.constant 0 : i32
    %dma_wait3A_161 = arith.constant 0 : i32
    %dma_wait3A_162 = tpu.memref_slice %arg2[%dma_wait3A_160, %dma_wait3A_161] : memref<20480x32xf32, #tpu.memory_space<hbm>> -> memref<20480x32xf32, #tpu.memory_space<hbm>>
    tpu.wait_indirect_dma semaphore(%arg13 : memref<!tpu.dma_semaphore, #tpu.memory_space<semaphore_mem>>) src(%dma_wait3A_162 : memref<20480x32xf32, #tpu.memory_space<hbm>>) dst(%arg9 : memref<128x32xf32, #tpu.memory_space<vmem>>)
    %run_scoped3A_163 = arith.constant 157 : i32
    "tpu.region"() ({
      %run_scoped3A_168 = tpu.sem_alloc : memref<!tpu.dma_semaphore, #tpu.memory_space<semaphore_mem>>
      %dma_start3A_169 = arith.constant 0 : i32
      %dma_start3A_170 = tpu.memref_slice %arg7[%run_scoped3A_163, %dma_start3A_169] : memref<158x128xi32, #tpu.memory_space<vmem>> -> memref<1x128xi32, #tpu.memory_space<vmem>>
      %dma_start3A_171 = tpu.memref_squeeze %dma_start3A_170 : memref<1x128xi32, #tpu.memory_space<vmem>> -> memref<128xi32, #tpu.memory_space<vmem>>
      %dma_start3A_172 = arith.constant 0 : i32
      %dma_start3A_173 = arith.constant 0 : i32
      %dma_start3A_174 = tpu.memref_slice %arg11[%dma_start3A_172, %dma_start3A_173] : memref<10240x32xf32, #tpu.memory_space<vmem_shared>> -> memref<10240x32xf32, #tpu.memory_space<vmem_shared>>
      tpu.enqueue_indirect_dma source(%arg9 : memref<128x32xf32, #tpu.memory_space<vmem>>) target(%dma_start3A_174 : memref<10240x32xf32, #tpu.memory_space<vmem_shared>>) offsets(%dma_start3A_171 : memref<128xi32, #tpu.memory_space<vmem>>) semaphore(%run_scoped3A_168 : memref<!tpu.dma_semaphore, #tpu.memory_space<semaphore_mem>>) {add = true}
      %dma_wait3A_175 = arith.constant 0 : i32
      %dma_wait3A_176 = tpu.memref_slice %arg7[%run_scoped3A_163, %dma_wait3A_175] : memref<158x128xi32, #tpu.memory_space<vmem>> -> memref<1x128xi32, #tpu.memory_space<vmem>>
      %dma_wait3A_177 = tpu.memref_squeeze %dma_wait3A_176 : memref<1x128xi32, #tpu.memory_space<vmem>> -> memref<128xi32, #tpu.memory_space<vmem>>
      %dma_wait3A_178 = arith.constant 0 : i32
      %dma_wait3A_179 = arith.constant 0 : i32
      %dma_wait3A_180 = tpu.memref_slice %arg11[%dma_wait3A_178, %dma_wait3A_179] : memref<10240x32xf32, #tpu.memory_space<vmem_shared>> -> memref<10240x32xf32, #tpu.memory_space<vmem_shared>>
      tpu.wait_indirect_dma semaphore(%run_scoped3A_168 : memref<!tpu.dma_semaphore, #tpu.memory_space<semaphore_mem>>) src(%arg9 : memref<128x32xf32, #tpu.memory_space<vmem>>) dst(%dma_wait3A_180 : memref<10240x32xf32, #tpu.memory_space<vmem_shared>>)
      tpu.yield
    }) : () -> ()
    %barrier3A_164 = arith.constant 0 : index
    tpu.barrier barrier_id(%barrier3A_164)
    %mul3A = arith.constant 640 : i32
    %mul3A_165 = arith.muli %arg1, %mul3A : i32
    %mul3A_166 = arith.constant 640 : i32
    %mul3A_167 = arith.muli %arg1, %mul3A_166 : i32
    "tpu.region"() ({
      %run_scoped3A_168 = tpu.sem_alloc : memref<!tpu.dma_semaphore, #tpu.memory_space<semaphore_mem>>
      %dma_start3A_169 = arith.constant 0 : i32
      %dma_start3A_170 = tpu.memref_slice %arg5[%arg0, %mul3A_167, %dma_start3A_169] : memref<2x10240x32xf32, #tpu.memory_space<hbm>> -> memref<1x640x32xf32, #tpu.memory_space<hbm>>
      %dma_start3A_171 = tpu.memref_squeeze %dma_start3A_170 : memref<1x640x32xf32, #tpu.memory_space<hbm>> -> memref<640x32xf32, #tpu.memory_space<hbm>>
      %dma_start3A_172 = arith.constant 0 : i32
      %dma_start3A_173 = tpu.memref_slice %arg11[%mul3A_165, %dma_start3A_172] : memref<10240x32xf32, #tpu.memory_space<vmem_shared>> -> memref<640x32xf32, #tpu.memory_space<vmem_shared>>
      tpu.enqueue_dma source(%dma_start3A_173 : memref<640x32xf32, #tpu.memory_space<vmem_shared>>) target(%dma_start3A_171 : memref<640x32xf32, #tpu.memory_space<hbm>>) target_semaphore(%run_scoped3A_168 : memref<!tpu.dma_semaphore, #tpu.memory_space<semaphore_mem>>)
      %dma_wait3A_174 = arith.constant 0 : i32
      %dma_wait3A_175 = tpu.memref_slice %arg5[%arg0, %mul3A_167, %dma_wait3A_174] : memref<2x10240x32xf32, #tpu.memory_space<hbm>> -> memref<1x640x32xf32, #tpu.memory_space<hbm>>
      %dma_wait3A_176 = tpu.memref_squeeze %dma_wait3A_175 : memref<1x640x32xf32, #tpu.memory_space<hbm>> -> memref<640x32xf32, #tpu.memory_space<hbm>>
      %dma_wait3A_177 = arith.constant 0 : i32
      %dma_wait3A_178 = tpu.memref_slice %arg11[%mul3A_165, %dma_wait3A_177] : memref<10240x32xf32, #tpu.memory_space<vmem_shared>> -> memref<640x32xf32, #tpu.memory_space<vmem_shared>>
      tpu.wait_dma2 semaphore(%run_scoped3A_168 : memref<!tpu.dma_semaphore, #tpu.memory_space<semaphore_mem>>) src(%dma_wait3A_178 : memref<640x32xf32, #tpu.memory_space<vmem_shared>>) dst(%dma_wait3A_176 : memref<640x32xf32, #tpu.memory_space<hbm>>)
      tpu.yield
    }) : () -> ()
    return
  }
}

module attributes {stable_mosaic.version = 14 : i64} {
  func.func @body(%arg0: i32, %arg1: memref<2048x128xf32, #tpu.memory_space<vmem>>, %arg2: memref<128x128xf32, #tpu.memory_space<vmem>>, %arg3: memref<128x128xf32, #tpu.memory_space<vmem>>, %arg4: memref<2x2048x80xf32, #tpu.memory_space<vmem>>, %arg5: memref<2048x128xf32, #tpu.memory_space<vmem>>) attributes {dimension_semantics = [#tpu.dimension_semantics<arbitrary>], iteration_bounds = array<i64: 5>, scalar_prefetch = 0 : i64, scratch_operands = 0 : i64, tpu.core_type = #tpu.core_type<tc>, window_params = [{transform_indices = @transform_0, window_bounds = array<i64: 2048, 128>}, {pipeline_mode = #tpu.pipeline_mode<synchronous>, transform_indices = @transform_1, window_bounds = array<i64: 128, 128>}, {pipeline_mode = #tpu.pipeline_mode<synchronous>, transform_indices = @transform_2, window_bounds = array<i64: 128, 128>}, {transform_indices = @transform_3, window_bounds = array<i64: 2, 2048, 80>}, {transform_indices = @transform_4, window_bounds = array<i64: 2048, 128>}]} {
    %get3A = arith.constant 0 : index
    %get3A_0 = arith.constant 0 : index
    %get3A_1 = vector.load %arg1[%get3A, %get3A_0] : memref<2048x128xf32, #tpu.memory_space<vmem>>, vector<2048x128xf32>
    %get3A_2 = arith.constant 0 : index
    %get3A_3 = arith.constant 0 : index
    %get3A_4 = vector.load %arg2[%get3A_2, %get3A_3] : memref<128x128xf32, #tpu.memory_space<vmem>>, vector<128x128xf32>
    %dot_general3A = arith.constant dense<0.000000e+00> : vector<2048x128xf32>
    %dot_general3A_5 = tpu.matmul %get3A_1, %get3A_4, %dot_general3A {dimension_numbers = #tpu.dot_dimension_numbers<[1], [0], [0], [1], [0, 0, 1, 1], [], []>, transpose_lhs_hint = false} : vector<2048x128xf32>, vector<128x128xf32>, vector<2048x128xf32> -> vector<2048x128xf32>
    %broadcast_in_dim3A = arith.constant 1.000000e+00 : f32
    %broadcast_in_dim3A_6 = vector.broadcast %broadcast_in_dim3A : f32 to vector<2048x16xf32>
    %slice3A = vector.extract_strided_slice %dot_general3A_5 {offsets = [0, 0], sizes = [2048, 64], strides = [1, 1]} : vector<2048x128xf32> to vector<2048x64xf32>
    %concatenate3A = tpu.concatenate %slice3A, %broadcast_in_dim3A_6 in 1 : vector<2048x64xf32>, vector<2048x16xf32> -> vector<2048x80xf32>
    %swap3A = arith.constant 0 : index
    %swap3A_7 = arith.constant 0 : index
    %swap3A_8 = arith.constant 0 : index
    %swap3A_9 = vector.load %arg4[%swap3A, %swap3A_7, %swap3A_8] : memref<2x2048x80xf32, #tpu.memory_space<vmem>>, vector<1x2048x80xf32>
    %swap3A_10 = vector.shape_cast %swap3A_9 : vector<1x2048x80xf32> to vector<2048x80xf32>
    %swap3A_11 = vector.shape_cast %concatenate3A : vector<2048x80xf32> to vector<1x2048x80xf32>
    tpu.vector_store %arg4[%swap3A, %swap3A_7, %swap3A_8], %swap3A_11 {strides = array<i32>} : memref<2x2048x80xf32, #tpu.memory_space<vmem>>, vector<1x2048x80xf32>,
    %slice3A_12 = vector.extract_strided_slice %dot_general3A_5 {offsets = [0, 64], sizes = [2048, 64], strides = [1, 1]} : vector<2048x128xf32> to vector<2048x64xf32>
    %concatenate3A_13 = tpu.concatenate %slice3A_12, %broadcast_in_dim3A_6 in 1 : vector<2048x64xf32>, vector<2048x16xf32> -> vector<2048x80xf32>
    %swap3A_14 = arith.constant 1 : index
    %swap3A_15 = arith.constant 0 : index
    %swap3A_16 = arith.constant 0 : index
    %swap3A_17 = vector.load %arg4[%swap3A_14, %swap3A_15, %swap3A_16] : memref<2x2048x80xf32, #tpu.memory_space<vmem>>, vector<1x2048x80xf32>
    %swap3A_18 = vector.shape_cast %swap3A_17 : vector<1x2048x80xf32> to vector<2048x80xf32>
    %swap3A_19 = vector.shape_cast %concatenate3A_13 : vector<2048x80xf32> to vector<1x2048x80xf32>
    tpu.vector_store %arg4[%swap3A_14, %swap3A_15, %swap3A_16], %swap3A_19 {strides = array<i32>} : memref<2x2048x80xf32, #tpu.memory_space<vmem>>, vector<1x2048x80xf32>,
    %get3A_20 = arith.constant 0 : index
    %get3A_21 = arith.constant 0 : index
    %get3A_22 = vector.load %arg3[%get3A_20, %get3A_21] : memref<128x128xf32, #tpu.memory_space<vmem>>, vector<128x128xf32>
    %dot_general3A_23 = arith.constant dense<0.000000e+00> : vector<2048x128xf32>
    %dot_general3A_24 = tpu.matmul %get3A_1, %get3A_22, %dot_general3A_23 {dimension_numbers = #tpu.dot_dimension_numbers<[1], [0], [0], [1], [0, 0, 1, 1], [], []>, transpose_lhs_hint = false} : vector<2048x128xf32>, vector<128x128xf32>, vector<2048x128xf32> -> vector<2048x128xf32>
    %swap3A_25 = arith.constant 0 : index
    %swap3A_26 = arith.constant 0 : index
    %swap3A_27 = vector.load %arg5[%swap3A_25, %swap3A_26] : memref<2048x128xf32, #tpu.memory_space<vmem>>, vector<2048x128xf32>
    tpu.vector_store %arg5[%swap3A_25, %swap3A_26], %dot_general3A_24 {strides = array<i32>} : memref<2048x128xf32, #tpu.memory_space<vmem>>, vector<2048x128xf32>,
    return
  }
  func.func @transform_0(%arg0: i32) -> (i32, i32) {
    %c0_i32 = arith.constant 0 : i32
    %c0_i32_0 = arith.constant 0 : i32
    return %arg0, %c0_i32 : i32, i32
  }
  func.func @transform_1(%arg0: i32) -> (i32, i32) {
    %c0_i32 = arith.constant 0 : i32
    %c0_i32_0 = arith.constant 0 : i32
    %c0_i32_1 = arith.constant 0 : i32
    return %c0_i32, %c0_i32_0 : i32, i32
  }
  func.func @transform_2(%arg0: i32) -> (i32, i32) {
    %c0_i32 = arith.constant 0 : i32
    %c0_i32_0 = arith.constant 0 : i32
    %c0_i32_1 = arith.constant 0 : i32
    return %c0_i32, %c0_i32_0 : i32, i32
  }
  func.func @transform_3(%arg0: i32) -> (i32, i32, i32) {
    %c0_i32 = arith.constant 0 : i32
    %c0_i32_0 = arith.constant 0 : i32
    %c0_i32_1 = arith.constant 0 : i32
    return %c0_i32, %arg0, %c0_i32_0 : i32, i32, i32
  }
  func.func @transform_4(%arg0: i32) -> (i32, i32) {
    %c0_i32 = arith.constant 0 : i32
    %c0_i32_0 = arith.constant 0 : i32
    return %arg0, %c0_i32 : i32, i32
  }
}

module attributes {stable_mosaic.version = 14 : i64} {
  func.func @body(%arg0: i32, %arg1: memref<2x2048x80xf32, #tpu.memory_space<vmem>>, %arg2: memref<2048x128xf32, #tpu.memory_space<vmem>>, %arg3: memref<128xf32, #tpu.memory_space<vmem>>, %arg4: memref<128xf32, #tpu.memory_space<vmem>>, %arg5: memref<128xf32, #tpu.memory_space<vmem>>, %arg6: memref<128x64xf32, #tpu.memory_space<vmem>>, %arg7: memref<128x64xf32, #tpu.memory_space<vmem>>, %arg8: memref<64xf32, #tpu.memory_space<vmem>>, %arg9: memref<2x2048x32xf32, #tpu.memory_space<vmem>>, %arg10: memref<2048x64xf32, #tpu.memory_space<vmem>>, %arg11: memref<2048x8xf32, #tpu.memory_space<vmem>>) attributes {dimension_semantics = [#tpu.dimension_semantics<arbitrary>], iteration_bounds = array<i64: 5>, scalar_prefetch = 0 : i64, scratch_operands = 0 : i64, tpu.core_type = #tpu.core_type<tc>, window_params = [{transform_indices = @transform_0, window_bounds = array<i64: 2, 2048, 80>}, {transform_indices = @transform_1, window_bounds = array<i64: 2048, 128>}, {pipeline_mode = #tpu.pipeline_mode<synchronous>, transform_indices = @transform_2, window_bounds = array<i64: 128>}, {pipeline_mode = #tpu.pipeline_mode<synchronous>, transform_indices = @transform_3, window_bounds = array<i64: 128>}, {pipeline_mode = #tpu.pipeline_mode<synchronous>, transform_indices = @transform_4, window_bounds = array<i64: 128>}, {pipeline_mode = #tpu.pipeline_mode<synchronous>, transform_indices = @transform_5, window_bounds = array<i64: 128, 64>}, {pipeline_mode = #tpu.pipeline_mode<synchronous>, transform_indices = @transform_6, window_bounds = array<i64: 128, 64>}, {pipeline_mode = #tpu.pipeline_mode<synchronous>, transform_indices = @transform_7, window_bounds = array<i64: 64>}, {transform_indices = @transform_8, window_bounds = array<i64: 2, 2048, 32>}, {transform_indices = @transform_9, window_bounds = array<i64: 2048, 64>}, {transform_indices = @transform_10, window_bounds = array<i64: 2048, 8>}]} {
    %get3A = arith.constant 0 : index
    %get3A_0 = arith.constant 0 : index
    %get3A_1 = arith.constant 0 : index
    %get3A_2 = vector.load %arg1[%get3A, %get3A_0, %get3A_1] : memref<2x2048x80xf32, #tpu.memory_space<vmem>>, vector<1x2048x64xf32>
    %get3A_3 = vector.shape_cast %get3A_2 : vector<1x2048x64xf32> to vector<2048x64xf32>
    %get3A_4 = arith.constant 1 : index
    %get3A_5 = arith.constant 0 : index
    %get3A_6 = arith.constant 0 : index
    %get3A_7 = vector.load %arg1[%get3A_4, %get3A_5, %get3A_6] : memref<2x2048x80xf32, #tpu.memory_space<vmem>>, vector<1x2048x64xf32>
    %get3A_8 = vector.shape_cast %get3A_7 : vector<1x2048x64xf32> to vector<2048x64xf32>
    %concatenate3A = tpu.concatenate %get3A_3, %get3A_8 in 1 : vector<2048x64xf32>, vector<2048x64xf32> -> vector<2048x128xf32>
    %get3A_9 = arith.constant 0 : index
    %get3A_10 = arith.constant 0 : index
    %get3A_11 = arith.constant 64 : index
    %get3A_12 = vector.load %arg1[%get3A_9, %get3A_10, %get3A_11] : memref<2x2048x80xf32, #tpu.memory_space<vmem>>, vector<1x2048x1xf32>
    %get3A_13 = vector.shape_cast %get3A_12 : vector<1x2048x1xf32> to vector<2048x1xf32>
    %max3A = arith.constant 1.000000e+00 : f32
    %max3A_14 = vector.broadcast %max3A : f32 to vector<2048x1xf32>
    %max3A_15 = arith.maximumf %get3A_13, %max3A_14 : vector<2048x1xf32>
    %div3A = arith.constant 1.000000e+00 : f32
    %div3A_16 = vector.broadcast %div3A : f32 to vector<2048x1xf32>
    %div3A_17 = arith.divf %div3A_16, %max3A_15 : vector<2048x1xf32>
    %mul3A = vector.broadcast %div3A_17 : vector<2048x1xf32> to vector<2048x128xf32>
    %mul3A_18 = arith.mulf %concatenate3A, %mul3A : vector<2048x128xf32>
    %get3A_19 = arith.constant 0 : index
    %get3A_20 = arith.constant 0 : index
    %get3A_21 = vector.load %arg2[%get3A_19, %get3A_20] : memref<2048x128xf32, #tpu.memory_space<vmem>>, vector<2048x128xf32>
    %add3A = arith.addf %mul3A_18, %get3A_21 : vector<2048x128xf32>
    %get3A_22 = arith.constant 0 : index
    %get3A_23 = vector.load %arg3[%get3A_22] : memref<128xf32, #tpu.memory_space<vmem>>, vector<128xf32>
    %broadcast_in_dim3A = vector.shape_cast %get3A_23 : vector<128xf32> to vector<1x128xf32>
    %add3A_24 = vector.broadcast %broadcast_in_dim3A : vector<1x128xf32> to vector<2048x128xf32>
    %add3A_25 = arith.addf %add3A, %add3A_24 : vector<2048x128xf32>
    %get3A_26 = arith.constant 0 : index
    %get3A_27 = vector.load %arg4[%get3A_26] : memref<128xf32, #tpu.memory_space<vmem>>, vector<128xf32>
    %mul3A_28 = arith.constant 0.999994993 : f32
    %mul3A_29 = vector.broadcast %mul3A_28 : f32 to vector<128xf32>
    %mul3A_30 = arith.mulf %get3A_27, %mul3A_29 : vector<128xf32>
    %broadcast_in_dim3A_31 = vector.shape_cast %mul3A_30 : vector<128xf32> to vector<1x128xf32>
    %mul3A_32 = vector.broadcast %broadcast_in_dim3A_31 : vector<1x128xf32> to vector<2048x128xf32>
    %mul3A_33 = arith.mulf %add3A_25, %mul3A_32 : vector<2048x128xf32>
    %get3A_34 = arith.constant 0 : index
    %get3A_35 = vector.load %arg5[%get3A_34] : memref<128xf32, #tpu.memory_space<vmem>>, vector<128xf32>
    %broadcast_in_dim3A_36 = vector.shape_cast %get3A_35 : vector<128xf32> to vector<1x128xf32>
    %add3A_37 = vector.broadcast %broadcast_in_dim3A_36 : vector<1x128xf32> to vector<2048x128xf32>
    %add3A_38 = arith.addf %mul3A_33, %add3A_37 : vector<2048x128xf32>
    %max3A_39 = arith.constant 0.000000e+00 : f32
    %max3A_40 = vector.broadcast %max3A_39 : f32 to vector<2048x128xf32>
    %max3A_41 = arith.maximumf %add3A_38, %max3A_40 : vector<2048x128xf32>
    %get3A_42 = arith.constant 0 : index
    %get3A_43 = arith.constant 0 : index
    %get3A_44 = vector.load %arg6[%get3A_42, %get3A_43] : memref<128x64xf32, #tpu.memory_space<vmem>>, vector<128x64xf32>
    %dot_general3A = arith.constant dense<0.000000e+00> : vector<2048x64xf32>
    %dot_general3A_45 = tpu.matmul %max3A_41, %get3A_44, %dot_general3A {dimension_numbers = #tpu.dot_dimension_numbers<[1], [0], [0], [1], [0, 0, 1, 1], [], []>, transpose_lhs_hint = false} : vector<2048x128xf32>, vector<128x64xf32>, vector<2048x64xf32> -> vector<2048x64xf32>
    %slice3A = vector.extract_strided_slice %dot_general3A_45 {offsets = [0, 0], sizes = [2048, 32], strides = [1, 1]} : vector<2048x64xf32> to vector<2048x32xf32>
    %swap3A = arith.constant 0 : index
    %swap3A_46 = arith.constant 0 : index
    %swap3A_47 = arith.constant 0 : index
    %swap3A_48 = vector.load %arg9[%swap3A, %swap3A_46, %swap3A_47] : memref<2x2048x32xf32, #tpu.memory_space<vmem>>, vector<1x2048x32xf32>
    %swap3A_49 = vector.shape_cast %swap3A_48 : vector<1x2048x32xf32> to vector<2048x32xf32>
    %swap3A_50 = vector.shape_cast %slice3A : vector<2048x32xf32> to vector<1x2048x32xf32>
    tpu.vector_store %arg9[%swap3A, %swap3A_46, %swap3A_47], %swap3A_50 {strides = array<i32>} : memref<2x2048x32xf32, #tpu.memory_space<vmem>>, vector<1x2048x32xf32>,
    %slice3A_51 = vector.extract_strided_slice %dot_general3A_45 {offsets = [0, 32], sizes = [2048, 32], strides = [1, 1]} : vector<2048x64xf32> to vector<2048x32xf32>
    %swap3A_52 = arith.constant 1 : index
    %swap3A_53 = arith.constant 0 : index
    %swap3A_54 = arith.constant 0 : index
    %swap3A_55 = vector.load %arg9[%swap3A_52, %swap3A_53, %swap3A_54] : memref<2x2048x32xf32, #tpu.memory_space<vmem>>, vector<1x2048x32xf32>
    %swap3A_56 = vector.shape_cast %swap3A_55 : vector<1x2048x32xf32> to vector<2048x32xf32>
    %swap3A_57 = vector.shape_cast %slice3A_51 : vector<2048x32xf32> to vector<1x2048x32xf32>
    tpu.vector_store %arg9[%swap3A_52, %swap3A_53, %swap3A_54], %swap3A_57 {strides = array<i32>} : memref<2x2048x32xf32, #tpu.memory_space<vmem>>, vector<1x2048x32xf32>,
    %get3A_58 = arith.constant 0 : index
    %get3A_59 = arith.constant 0 : index
    %get3A_60 = vector.load %arg7[%get3A_58, %get3A_59] : memref<128x64xf32, #tpu.memory_space<vmem>>, vector<128x64xf32>
    %dot_general3A_61 = arith.constant dense<0.000000e+00> : vector<2048x64xf32>
    %dot_general3A_62 = tpu.matmul %max3A_41, %get3A_60, %dot_general3A_61 {dimension_numbers = #tpu.dot_dimension_numbers<[1], [0], [0], [1], [0, 0, 1, 1], [], []>, transpose_lhs_hint = false} : vector<2048x128xf32>, vector<128x64xf32>, vector<2048x64xf32> -> vector<2048x64xf32>
    %get3A_63 = arith.constant 0 : index
    %get3A_64 = vector.load %arg8[%get3A_63] : memref<64xf32, #tpu.memory_space<vmem>>, vector<64xf32>
    %broadcast_in_dim3A_65 = vector.shape_cast %get3A_64 : vector<64xf32> to vector<1x64xf32>
    %add3A_66 = vector.broadcast %broadcast_in_dim3A_65 : vector<1x64xf32> to vector<2048x64xf32>
    %add3A_67 = arith.addf %dot_general3A_62, %add3A_66 : vector<2048x64xf32>
    %swap3A_68 = arith.constant 0 : index
    %swap3A_69 = arith.constant 0 : index
    %swap3A_70 = vector.load %arg10[%swap3A_68, %swap3A_69] : memref<2048x64xf32, #tpu.memory_space<vmem>>, vector<2048x64xf32>
    tpu.vector_store %arg10[%swap3A_68, %swap3A_69], %add3A_67 {strides = array<i32>} : memref<2048x64xf32, #tpu.memory_space<vmem>>, vector<2048x64xf32>,
    %broadcast_in_dim3A_71 = vector.shape_cast %div3A_17 : vector<2048x1xf32> to vector<2048x1xf32>
    %broadcast_in_dim3A_72 = vector.broadcast %broadcast_in_dim3A_71 : vector<2048x1xf32> to vector<2048x8xf32>
    %swap3A_73 = arith.constant 0 : index
    %swap3A_74 = arith.constant 0 : index
    %swap3A_75 = vector.load %arg11[%swap3A_73, %swap3A_74] : memref<2048x8xf32, #tpu.memory_space<vmem>>, vector<2048x8xf32>
    tpu.vector_store %arg11[%swap3A_73, %swap3A_74], %broadcast_in_dim3A_72 {strides = array<i32>} : memref<2048x8xf32, #tpu.memory_space<vmem>>, vector<2048x8xf32>,
    return
  }
  func.func @transform_0(%arg0: i32) -> (i32, i32, i32) {
    %c0_i32 = arith.constant 0 : i32
    %c0_i32_0 = arith.constant 0 : i32
    %c0_i32_1 = arith.constant 0 : i32
    return %c0_i32, %arg0, %c0_i32_0 : i32, i32, i32
  }
  func.func @transform_1(%arg0: i32) -> (i32, i32) {
    %c0_i32 = arith.constant 0 : i32
    %c0_i32_0 = arith.constant 0 : i32
    return %arg0, %c0_i32 : i32, i32
  }
  func.func @transform_2(%arg0: i32) -> i32 {
    %c0_i32 = arith.constant 0 : i32
    %c0_i32_0 = arith.constant 0 : i32
    return %c0_i32 : i32
  }
  func.func @transform_3(%arg0: i32) -> i32 {
    %c0_i32 = arith.constant 0 : i32
    %c0_i32_0 = arith.constant 0 : i32
    return %c0_i32 : i32
  }
  func.func @transform_4(%arg0: i32) -> i32 {
    %c0_i32 = arith.constant 0 : i32
    %c0_i32_0 = arith.constant 0 : i32
    return %c0_i32 : i32
  }
  func.func @transform_5(%arg0: i32) -> (i32, i32) {
    %c0_i32 = arith.constant 0 : i32
    %c0_i32_0 = arith.constant 0 : i32
    %c0_i32_1 = arith.constant 0 : i32
    return %c0_i32, %c0_i32_0 : i32, i32
  }
  func.func @transform_6(%arg0: i32) -> (i32, i32) {
    %c0_i32 = arith.constant 0 : i32
    %c0_i32_0 = arith.constant 0 : i32
    %c0_i32_1 = arith.constant 0 : i32
    return %c0_i32, %c0_i32_0 : i32, i32
  }
  func.func @transform_7(%arg0: i32) -> i32 {
    %c0_i32 = arith.constant 0 : i32
    %c0_i32_0 = arith.constant 0 : i32
    return %c0_i32 : i32
  }
  func.func @transform_8(%arg0: i32) -> (i32, i32, i32) {
    %c0_i32 = arith.constant 0 : i32
    %c0_i32_0 = arith.constant 0 : i32
    %c0_i32_1 = arith.constant 0 : i32
    return %c0_i32, %arg0, %c0_i32_0 : i32, i32, i32
  }
  func.func @transform_9(%arg0: i32) -> (i32, i32) {
    %c0_i32 = arith.constant 0 : i32
    %c0_i32_0 = arith.constant 0 : i32
    return %arg0, %c0_i32 : i32, i32
  }
  func.func @transform_10(%arg0: i32) -> (i32, i32) {
    %c0_i32 = arith.constant 0 : i32
    %c0_i32_0 = arith.constant 0 : i32
    return %arg0, %c0_i32 : i32, i32
  }
}

module attributes {stable_mosaic.version = 14 : i64} {
  func.func @body(%arg0: i32, %arg1: memref<2x2048x32xf32, #tpu.memory_space<vmem>>, %arg2: memref<2048x64xf32, #tpu.memory_space<vmem>>, %arg3: memref<2048x8xf32, #tpu.memory_space<vmem>>, %arg4: memref<2048x64xf32, #tpu.memory_space<vmem>>) attributes {dimension_semantics = [#tpu.dimension_semantics<arbitrary>], iteration_bounds = array<i64: 5>, scalar_prefetch = 0 : i64, scratch_operands = 0 : i64, tpu.core_type = #tpu.core_type<tc>, window_params = [{transform_indices = @transform_0, window_bounds = array<i64: 2, 2048, 32>}, {transform_indices = @transform_1, window_bounds = array<i64: 2048, 64>}, {transform_indices = @transform_2, window_bounds = array<i64: 2048, 8>}, {transform_indices = @transform_3, window_bounds = array<i64: 2048, 64>}]} {
    %get3A = arith.constant 0 : index
    %get3A_0 = arith.constant 0 : index
    %get3A_1 = arith.constant 0 : index
    %get3A_2 = vector.load %arg1[%get3A, %get3A_0, %get3A_1] : memref<2x2048x32xf32, #tpu.memory_space<vmem>>, vector<1x2048x32xf32>
    %get3A_3 = vector.shape_cast %get3A_2 : vector<1x2048x32xf32> to vector<2048x32xf32>
    %get3A_4 = arith.constant 1 : index
    %get3A_5 = arith.constant 0 : index
    %get3A_6 = arith.constant 0 : index
    %get3A_7 = vector.load %arg1[%get3A_4, %get3A_5, %get3A_6] : memref<2x2048x32xf32, #tpu.memory_space<vmem>>, vector<1x2048x32xf32>
    %get3A_8 = vector.shape_cast %get3A_7 : vector<1x2048x32xf32> to vector<2048x32xf32>
    %concatenate3A = tpu.concatenate %get3A_3, %get3A_8 in 1 : vector<2048x32xf32>, vector<2048x32xf32> -> vector<2048x64xf32>
    %get3A_9 = arith.constant 0 : index
    %get3A_10 = arith.constant 0 : index
    %get3A_11 = vector.load %arg3[%get3A_9, %get3A_10] : memref<2048x8xf32, #tpu.memory_space<vmem>>, vector<2048x1xf32>
    %mul3A = vector.broadcast %get3A_11 : vector<2048x1xf32> to vector<2048x64xf32>
    %mul3A_12 = arith.mulf %concatenate3A, %mul3A : vector<2048x64xf32>
    %get3A_13 = arith.constant 0 : index
    %get3A_14 = arith.constant 0 : index
    %get3A_15 = vector.load %arg2[%get3A_13, %get3A_14] : memref<2048x64xf32, #tpu.memory_space<vmem>>, vector<2048x64xf32>
    %add3A = arith.addf %mul3A_12, %get3A_15 : vector<2048x64xf32>
    %swap3A = arith.constant 0 : index
    %swap3A_16 = arith.constant 0 : index
    %swap3A_17 = vector.load %arg4[%swap3A, %swap3A_16] : memref<2048x64xf32, #tpu.memory_space<vmem>>, vector<2048x64xf32>
    tpu.vector_store %arg4[%swap3A, %swap3A_16], %add3A {strides = array<i32>} : memref<2048x64xf32, #tpu.memory_space<vmem>>, vector<2048x64xf32>,
    return
  }
  func.func @transform_0(%arg0: i32) -> (i32, i32, i32) {
    %c0_i32 = arith.constant 0 : i32
    %c0_i32_0 = arith.constant 0 : i32
    %c0_i32_1 = arith.constant 0 : i32
    return %c0_i32, %arg0, %c0_i32_0 : i32, i32, i32
  }
  func.func @transform_1(%arg0: i32) -> (i32, i32) {
    %c0_i32 = arith.constant 0 : i32
    %c0_i32_0 = arith.constant 0 : i32
    return %arg0, %c0_i32 : i32, i32
  }
  func.func @transform_2(%arg0: i32) -> (i32, i32) {
    %c0_i32 = arith.constant 0 : i32
    %c0_i32_0 = arith.constant 0 : i32
    return %arg0, %c0_i32 : i32, i32
  }
  func.func @transform_3(%arg0: i32) -> (i32, i32) {
    %c0_i32 = arith.constant 0 : i32
    %c0_i32_0 = arith.constant 0 : i32
    return %arg0, %c0_i32 : i32, i32
  }
}

</mosaic_0001>

<sc_bundles>
// kernel: kernel.10.cloned.1.call-start
scs
__scs_entry_jumppad:
0x0: {  	(pc) =	sbr.rel $0x88, $3  }
0x1: {  	(tag) =	ssettag $0x0;
	lr =	simm.s32 $0x1  }
0x2: {  	[smem:$0x3F97] =	sst lr;
	_ =	strace $0xD0000000  }
0x3: {  	_ = 	snop  }
0x4: {  	_ = 	snop  }
0x5: {  	_ = 	snop  }
0x6: {  	_ = 	snop  }
0x7: {  	_ = 	snop  }
__scs_overlays_trampoline_lowered:
0x8: {  	[smem:$0x3FA6] =	sst s0  }
0x9: {  	[smem:$0x3FA7] =	sst s1  }
0xa: {  	[smem:$0x3FA8] =	sst s2  }
0xb: {  	[smem:$0x3FA9] =	sst s3  }
0xc: {  	[smem:$0x3FAA] =	sst s4  }
0xd: {  	[smem:$0x3FAB] =	sst s5  }
0xe: {  	[smem:$0x3FAC] =	sst s6  }
0xf: {  	[smem:$0x3FAD] =	sst s7  }
0x10: {  	[smem:$0x3FAE] =	sst s8  }
0x11: {  	[smem:$0x3FAF] =	sst s9;
	s0 =	simm.s32 @!p0 $0x0  }
0x12: {  	s1 =	sld [smem:$0x3F95];
	s0 =	simm.s32 @p0 $0x1  }
0x13: {  	[smem:$0x3FB0] =	sst s0;
	s0 =	simm.s32 @!p1 $0x0  }
0x14: {  	s2 =	sld [smem:$0x3F94];
	s0 =	simm.s32 @p1 $0x1  }
0x15: {  	[smem:$0x3FB1] =	sst s0;
	s0 =	simm.s32 @!p2 $0x0  }
0x16: {  	s3 =	sld [smem:$0x3FDB];
	s0 =	simm.s32 @p2 $0x1  }
0x17: {  	s4 =	simm.s32 $0x1BF5;
	[smem:$0x3FB3] =	sst s0  }
0x18: {  	s0 =	sld [smem:$0x3F96];
	_ =	swait.ge [sflag:s4], $0x0  }
0x19: {  	s7 =	sld [smem:$0x3F97]  }
0x1a: {  	s8 =	sadd.s32 $0xFFFFE003, lr  }
0x1b: {  	s9 =	sadd.s32 $0xFFFFFEF7, lr;
	s5 =	simm.s32 $0xFFFFFFFF;
	p2 =	slt.u32 s8, $0xFFFFF086  }
0x1c: {  	p1 =	slt.u32 s9, $0xF7A;
	s5 =	simm.s32 @!p2 $0x0  }
0x1d: {  	s5 =	simm.s32 @p1 $0x1;
	p0 =	seq.s32 s7, s2  }
0x1e: {  	s7 =	smul.u32 @!p0 $0xF7A, s2;
	p2 =	seq.s32 @!p0 s5, $0x0  }
0x1f: {  	s9 =	smul.u32 $0xF7A, s1;
	s8 =	simm.s32 @!p0 $0x1BF5;
	p2 =	por !p2, p0  }
0x20: {  	[sflag:s8] =	ssyncset.s32 @!p0 $0xFFFFF086;
	s6 =	sadd.s32 @!p0 s3, s7;
	s7 =	simm.s32 @!p0 $0x108  }
0x21: {  	s3 =	sadd.s32 s3, s9;
	s6 =	sadd.s32 @!p0 $0x88, s6;
	s7 =	simm.s32 @p2 $0x1082  }
0x22: {  	[simem:s7], [sflag:s8] =	dma.local @!p0 [hbm:s6], $0xF7A  }
0x23: {  	s9 =	sor.u32 $0xD0000000, s2;
	s6 =	simm.s32 $0x108;
	_ =	swait.ge @!p0 [sflag:s8], $0x0  }
0x24: {  	s3 =	sadd.s32 $0x88, s3;
	s6 =	simm.s32 @!p1 $0x1082;
	[sflag:s4] =	ssyncset.s32 $0xFFFFF086  }
0x25: {  	[simem:s6], [sflag:s4] =	dma.local [hbm:s3], $0xF7A  }
0x26: {  	[smem:$0x3F97] =	sst s1;
	(tag) =	ssettag s2;
	_ =	strace s9  }
0x27: {  	s1 =	sld [smem:$0x3FA7]  }
0x28: {  	s2 =	sld [smem:$0x3FA8]  }
0x29: {  	s4 =	sld [smem:$0x3FAA]  }
0x2a: {  	p0 =	seq.s32 s5, $0x0;
	s5 =	sld [smem:$0x3FAB]  }
0x2b: {  	s6 =	sld [smem:$0x3FAC]  }
0x2c: {  	s7 =	sld [smem:$0x3FAD]  }
0x2d: {  	s3 =	simm.s32 $0x108;
	s8 =	sld [smem:$0x3FAE]  }
0x2e: {  	s3 =	simm.s32 @!p0 $0x1082;
	s9 =	sld [smem:$0x3FAF]  }
0x2f: {  	lr =	sadd.s32 s0, s3;
	s0 =	sld [smem:$0x3FA6]  }
0x30: {  	s3 =	sld [smem:$0x3FA9]  }
0x31: {  	[smem:$0x3FB2] =	sst s10  }
0x32: {  	s10 =	sld [smem:$0x3FB0];
	_ =	sdelay $0x3  }
0x33: {  	p0 =	seq.s32 s10, $0x1;
	s10 =	sld [smem:$0x3FB2];
	_ =	sdelay $0x3  }
0x34: {  	[smem:$0x3FB2] =	sst s10  }
0x35: {  	s10 =	sld [smem:$0x3FB1];
	_ =	sdelay $0x3  }
0x36: {  	p1 =	seq.s32 s10, $0x1;
	s10 =	sld [smem:$0x3FB2];
	_ =	sdelay $0x3  }
0x37: {  	[smem:$0x3FB2] =	sst s10  }
0x38: {  	s10 =	sld [smem:$0x3FB3]  }
0x39: {  	_ = 	snop;
	(pc) =	sbr.ind lr, $3  }
0x3a: {  	_ = 	snop  }
0x3b: {  	_ = 	snop  }
0x3c: {  	p2 =	seq.s32 s10, $0x1;
	s10 =	sld [smem:$0x3FB2]  }
0x3d: {  	_ =	shalt  }
0x3e: {  	_ =	shalt  }
0x3f: {  	_ =	shalt  }
0x40: {  	_ =	shalt  }
0x41: {  	_ =	shalt  }
0x42: {  	_ =	shalt  }
0x43: {  	_ =	shalt  }
0x44: {  	_ =	shalt  }
0x45: {  	_ =	shalt  }
0x46: {  	_ =	shalt  }
0x47: {  	_ =	shalt  }
0x48: {  	_ =	shalt  }
0x49: {  	_ =	shalt  }
0x4a: {  	_ =	shalt  }
0x4b: {  	_ =	shalt  }
0x4c: {  	_ =	shalt  }
0x4d: {  	_ =	shalt  }
0x4e: {  	_ =	shalt  }
0x4f: {  	_ =	shalt  }
0x50: {  	_ =	shalt  }
0x51: {  	_ =	shalt  }
0x52: {  	_ =	shalt  }
0x53: {  	_ =	shalt  }
0x54: {  	_ =	shalt  }
0x55: {  	_ =	shalt  }
0x56: {  	_ =	shalt  }
0x57: {  	_ =	shalt  }
0x58: {  	_ =	shalt  }
0x59: {  	_ =	shalt  }
0x5a: {  	_ =	shalt  }
0x5b: {  	_ =	shalt  }
0x5c: {  	_ =	shalt  }
0x5d: {  	_ =	shalt  }
0x5e: {  	_ =	shalt  }
0x5f: {  	_ =	shalt  }
0x60: {  	_ =	shalt  }
0x61: {  	_ =	shalt  }
0x62: {  	_ =	shalt  }
0x63: {  	_ =	shalt  }
0x64: {  	_ =	shalt  }
0x65: {  	_ =	shalt  }
0x66: {  	_ =	shalt  }
0x67: {  	_ =	shalt  }
0x68: {  	_ =	shalt  }
0x69: {  	_ =	shalt  }
0x6a: {  	_ =	shalt  }
0x6b: {  	_ =	shalt  }
0x6c: {  	_ =	shalt  }
0x6d: {  	_ =	shalt  }
0x6e: {  	_ =	shalt  }
0x6f: {  	_ =	shalt  }
0x70: {  	_ =	shalt  }
0x71: {  	_ =	shalt  }
0x72: {  	_ =	shalt  }
0x73: {  	_ =	shalt  }
0x74: {  	_ =	shalt  }
0x75: {  	_ =	shalt  }
0x76: {  	_ =	shalt  }
0x77: {  	_ =	shalt  }
0x78: {  	_ =	shalt  }
0x79: {  	_ =	shalt  }
0x7a: {  	_ =	shalt  }
0x7b: {  	_ =	shalt  }
0x7c: {  	_ =	shalt  }
0x7d: {  	_ =	shalt  }
0x7e: {  	_ =	shalt  }
0x7f: {  	_ =	shalt  }
0x80: {  	_ =	shalt  }
0x81: {  	_ =	shalt  }
0x82: {  	_ =	shalt  }
0x83: {  	_ =	shalt  }
0x84: {  	_ =	shalt  }
0x85: {  	_ =	shalt  }
0x86: {  	_ =	shalt  }
0x87: {  	_ =	shalt  }
.Lfunc_end0:
.L_simem_size_0:
called_computation.1_lowered:
.L_overlay_start_0:
0x88: {  	s2 =	sld [smem:$0x3FD9]  }
0x89: {  	s3 =	sld [smem:$0x3FFE];
	_ =	sdelay $0x1  }
0x8a: {  	s1 =	srdreg.scid  }
0x8b: {  	s0 =	sand.u32 $0x1, s1  }
0x8c: {  	s17 =	sshll.u32 s0, $0xA;
	s2 =	sadd.s32 s3, s2  }
0x8d: {  	s2 =	sadd.s32 s2, s17  }
0x8e: {  	[smem:$0x3FBE] =	sst s2  }
0x8f: {  	_ = 	snop  }
0x90: {  	s2 =	sld [smem:$0x3FD0];
	(tm) =	ssettm $0x1  }
0x91: {  	s18 =	sld [smem:$0x3FFB];
	_ =	sdelay $0x3  }
0x92: {  	_ =	strace s18  }
0x93: {  	s3 =	sld [smem:$0x3FFC];
	_ =	sdelay $0x3  }
0x94: {  	_ =	strace s3  }
0x95: {  	s3 =	sld [smem:$0x3FFD];
	_ =	sdelay $0x3  }
0x96: {  	_ =	strace s3  }
0x97: {  	_ =	strace $0x8FFFFFFF  }
0x98: {  	s19 =	sld [smem:$0x3FDB];
	_ =	sdelay $0x1  }
0x99: {  	s4 =	simm.s32 $_scs_section_size  }
0x9a: {  	s5 =	simm.s32 $_size__tile_overlayer_lowered;
	s6 =	simm.s32 $_tile_overlayer_lowered  }
0x9b: {  	s22 =	simm.s32 $0x1BFF;
	s21 =	sshll.u32 s6, $0x1;
	s3 =	sadd.s32 s4, s19  }
0x9c: {  	s7 =	simm.s32 $0x0;
	s20 =	sshll.u32 s5, $0x1;
	s5 =	sadd.s32 s21, s3  }
0x9d: {  	[timem:s7], [sflag:s22] =	dma.local [hbm:s5], s20  }
0x9e: {  	_ =	swait.ge [sflag:s22], s20  }
0x9f: {  	s4 =	ssub.s32 $0x0, s20;
	[sflag:s22] =	ssyncset.done $0x0  }
0xa0: {  	[sflag:s22] =	ssyncadd.s32 s4;
	_ =	sdelay $0x1  }
0xa1: {  	s23 =	simm.s32 $0x1B8B  }
0xa2: {  	_ =	swait.ge [sflag:s23], $0x1  }
0xa3: {  	[sflag:s23] =	ssyncset.done $0x0  }
0xa4: {  	s25 =	simm.s32 $0x1B8E;
	s24 =	sld [smem:$0x3FFE];
	[sflag:s23] =	ssyncadd.s32 $0xFFFFFFFF  }
0xa5: {  	s26 =	simm.s32 $execute0_lowered;
	[smem:$0x3FD2] =	sst s25  }
0xa6: {  	s5 =	sshll.u32 s26, $0x1;
	_ =	strace $0x80000049;
	[dreg:$0x1] =	wrdreg $0xFFFFFFFF  }
0xa7: {  	s28 =	simm.s32 $_size_execute0_lowered;
	s3 =	sadd.s32 s3, s5;
	[dreg:$0x0] =	wrdreg $0x0  }
0xa8: {  	s5 =	sshll.u32 s28, $0x1;
	[dreg:$0x2] =	wrdreg s3  }
0xa9: {  	[dreg:$0x3] =	wrdreg s5  }
0xaa: {  	[dreg:$0x4] =	wrdreg $0xC0  }
0xab: {  	_ =	task [dreg:s7], $0x5FFFF  }
0xac: {  	[dreg:$0x1] =	wrdreg $0xFFFFFFFF  }
0xad: {  	[dreg:$0x0] =	wrdreg $0x60  }
0xae: {  	[dreg:$0x2] =	wrdreg s24  }
0xaf: {  	[dreg:$0x3] =	wrdreg s2  }
0xb0: {  	[dreg:$0x4] =	wrdreg $0xC0000  }
0xb1: {  	[dreg:$0x5] =	wrdreg $0x9  }
0xb2: {  	_ =	task.clear_ibuf [dreg:s7], $0x6FFFF;
	_ =	strace $0x90000049  }
0xb3: {  	s29 =	simm.s32 $0x9;
	_ =	strace $0x8000004B  }
0xb4: {  	_ =	swait.ge [sflag:s29], $0x1  }
0xb5: {  	[sflag:s29] =	ssyncadd.s32 $0xFFFFFFFF  }
0xb6: {  	_ =	strace $0x9000004B  }
0xb7: {  	_ =	sfence  }
0xb8: {  	s30 =	sld [smem:$0x0];
	_ =	sdelay $0x2  }
0xb9: {  	s31 =	sshll.u32 s1, $0xD;
	s1 =	sshrl.u32 s1, $0x2  }
0xba: {  	s3 =	sand.u32 $0x4000, s31;
	s1 =	sadd.s32 s1, s30  }
0xbb: {  	s0 =	sor.u32 s3, s0;
	s1 =	sshll.u32 s1, $0x11  }
0xbc: {  	s0 =	sor.u32 s1, s0  }
0xbd: {  	s0 =	sadd.s32 $0x8F2B, s0  }
0xbe: {  	[sflag:s0] =	ssyncadd.remote.s32 $0x1  }
0xbf: {  	_ =	sfence.sel $0xFFFF  }
0xc0: {  	[dreg:$0x0] =	wrdreg $0xFFFFFFFF;
	(pc) =	sbr.abs _section_cstart, $3  }
0xc1: {  	[dreg:$0x1] =	wrdreg $0xFFFFFFFF  }
0xc2: {  	_ =	task.clear_ibuf [dreg:s7], $0x2FFFF;
	_ =	strace $0x9FFFFFFF  }
0xc3: {  	(tm) =	ssettm $0x7FFFFFFF  }
tec
execute0_lowered:
.L_overlay_start_1:
0x0: {  	(tag) =	ssettag $0x1  }
0x1: {  	s5 =	rddreg [dreg:$0x0]  }
0x2: {  	s6 =	rddreg [dreg:$0x1]  }
0x3: {  	s1 =	rddreg [dreg:$0x2];
	s2 =	srdreg.scid  }
0x4: {  	s0 =	rddreg [dreg:$0x3];
	s3 =	simm.s32 $0x0;
	s14 =	simm.s32 $0x9E00  }
0x5: {  	s15 =	simm.s32 $0xAE00;
	s16 =	simm.s32 $0x1;
	s7 =	sand.u32 $0x1, s2  }
0x6: {  	s17 =	simm.s32 $0x2;
	s2 =	stileid.u32;
	s8 =	smul.u32 $0x50000, s7  }
0x7: {  	s18 =	simm.s32 $0x9D00;
	s19 =	simm.s32 $0x9D80;
	s9 =	smul.u32 $0x5000, s2  }
0x8: {  	[smem:$0x7FF] =	sst s3;
	s4 =	sadd.s32 $0x1800, s5;
	s10 =	smul.u32 $0x4F00, s2  }
0x9: {  	_ =	strace $0x8000004A;
	s11 =	smul.u32 $0x14000, s2;
	s29 =	ssub.s32 $0x2, s7  }
0xa: {  	s13 =	smul.u32 $0x4F000, s7;
	s20 =	sshll.u32 s2, $0x6;
	s7 =	sshrl.u32 s29, $0x1  }
0xb: {  	s20 =	sor.u32 $0x1C03, s20;
	s8 =	sadd.s32 s9, s8;
	s12 =	sshrl.u32 s10, $0x3  }
0xc: {  	s11 =	sshrl.u32 s11, $0x2;
	s10 =	sadd.s32 s10, s13;
	s30 =	ssub.s32 s29, s7  }
0xd: {  	s21 =	sadd.s32 s9, s1;
	s13 =	simm.s32 $0x80;
	s8 =	sshrl.u32 s8, $0x3  }
0xe: {  	s12 =	sadd.s32 s12, s5;
	s31 =	sshrl.u32 s10, $0x3;
	s9 =	smax.u32 s30, $0x1  }
0xf: {  	s10 =	simm.s32 $0xBE00;
	s21 =	sshrl.u32 s21, $0x3;
	s8 =	sadd.s32 s8, s5  }
0x10: {  	s5 =	sadd.s32 s11, s1;
	s6 =	sadd.s32 s6, s31;
	s7 =	sadd.s32 $0x33800, s12  }
0x11: {  	v0 =	vimm.f32 $0.0e+00;
	s11 =	simm.s32 $0x3;
	s12 =	simm.s32 $0x4F00;
	s8 =	sadd.s32 $0x15800, s8  }
.LBB2_1:
0x12: {  	[tilespmem:$0xBE00] =	vst v0  }
0x13: {  	[tilespmem:$0xBE10] =	vst v0  }
0x14: {  	[tilespmem:$0xBE20] =	vst v0  }
0x15: {  	[tilespmem:$0xBE30] =	vst v0  }
0x16: {  	[tilespmem:$0xBE40] =	vst v0  }
0x17: {  	[tilespmem:$0xBE50] =	vst v0  }
0x18: {  	[tilespmem:$0xBE60] =	vst v0  }
0x19: {  	[tilespmem:$0xBE70] =	vst v0  }
0x1a: {  	[tilespmem:$0xBE80] =	vst v0  }
0x1b: {  	[tilespmem:$0xBE90] =	vst v0  }
0x1c: {  	[tilespmem:$0xBEA0] =	vst v0  }
0x1d: {  	[tilespmem:$0xBEB0] =	vst v0  }
0x1e: {  	[tilespmem:$0xBEC0] =	vst v0  }
0x1f: {  	[tilespmem:$0xBED0] =	vst v0  }
0x20: {  	[tilespmem:$0xBEE0] =	vst v0  }
0x21: {  	[tilespmem:$0xBEF0] =	vst v0  }
0x22: {  	[tilespmem:$0xBF00] =	vst v0  }
0x23: {  	[tilespmem:$0xBF10] =	vst v0  }
0x24: {  	[tilespmem:$0xBF20] =	vst v0  }
0x25: {  	[tilespmem:$0xBF30] =	vst v0  }
0x26: {  	[tilespmem:$0xBF40] =	vst v0  }
0x27: {  	[tilespmem:$0xBF50] =	vst v0  }
0x28: {  	[tilespmem:$0xBF60] =	vst v0  }
0x29: {  	[tilespmem:$0xBF70] =	vst v0  }
0x2a: {  	[tilespmem:$0xBF80] =	vst v0  }
0x2b: {  	[tilespmem:$0xBF90] =	vst v0  }
0x2c: {  	[tilespmem:$0xBFA0] =	vst v0  }
0x2d: {  	[tilespmem:$0xBFB0] =	vst v0  }
0x2e: {  	[tilespmem:$0xBFC0] =	vst v0  }
0x2f: {  	[tilespmem:$0xBFD0] =	vst v0  }
0x30: {  	[tilespmem:$0xBFE0] =	vst v0  }
0x31: {  	[tilespmem:$0xBFF0] =	vst v0;
	s22 =	sadd.s32 $0x0, s5  }
0x32: {  	[spmem:s22] =	stream.linear.scatter [tilespmem:s10], [sflag:$0x3], $0x200, $0x38;
	[tilespmem:$0x11000] =	vst v63  }
0x33: {  	s22 =	simm.s32 $0x800;
	_ =	swait.ge [sflag:s11], $0x200  }
.LBB2_2:
0x34: {  	s23 =	sshra.s32 s22, $0x2;
	[sflag:s11] =	ssyncset.done $0x0;
	p0 =	sne.s32 s22, $0x13800  }
.Ltmp0:
0x35: {  	s23 =	sadd.s32 s23, s5;
	[sflag:s11] =	ssyncadd.s32 $0xFFFFFE00;
	(pc) =	sbr.rel @p0 .LBB2_2-.Ltmp0, $3  }
0x36: {  	[spmem:s23] =	stream.linear.scatter [tilespmem:s10], [sflag:$0x3], $0x200, $0x38;
	[tilespmem:$0x11000] =	vst v63  }
0x37: {  	s22 =	sadd.s32 $0x800, s22;
	_ =	sdelay $0x1  }
0x38: {  	_ =	swait.ge [sflag:s11], $0x200  }
0x39: {  	[sflag:s11] =	ssyncset.done $0x0  }
0x3a: {  	s22 =	simm.s32 $0x0;
	[sflag:s11] =	ssyncadd.s32 $0xFFFFFE00  }
0x3b: {  	[tilespmem:s22], [sflag:$0x3] =	stream.linear.gather [hbm4b:s6+s22], $0x4F00, $0x38;
	[tilespmem:$0x11000] =	vst v63  }
0x3c: {  	_ =	swait.ge [sflag:s11], $0x4F00  }
0x3d: {  	[sflag:s11] =	ssyncset.done $0x0  }
0x3e: {  	[sflag:s11] =	ssyncadd.s32 $0xFFFFB100  }
0x3f: {  	[tilespmem:s12], [sflag:$0x3] =	stream.linear.gather [hbm4b:s7+s22], $0x4F00, $0x38;
	[tilespmem:$0x11000] =	vst v63  }
0x40: {  	_ =	swait.ge [sflag:s11], $0x4F00  }
0x41: {  	[sflag:s11] =	ssyncset.done $0x0  }
0x42: {  	[sflag:s11] =	ssyncadd.s32 $0xFFFFB100  }
0x43: {  	[bflag:$0x0] =	sbarrier.arrive $0xFFFF  }
0x44: {  	[tilespmem:s14], [sflag:$0x1] =	stream.indirect.gather [hbm4b:s4+s13], $0x20, s22, s13, $0xb8;
	[tilespmem:$0x11000] =	vst v63  }
0x45: {  	_ = 	snop  }
0x46: {  	[tilespmem:s15], [sflag:$0x2] =	stream.indirect.gather [hbm4b:s4+s13], $0x20, s13, s13, $0xb8;
	[tilespmem:$0x11000] =	vst v63  }
0x47: {  	_ =	swait.ge [sflag:s16], $0x1000  }
0x48: {  	[sflag:s16] =	ssyncset.done $0x0  }
0x49: {  	s29 =	simm.s32 $0x4F00;
	[sflag:s16] =	ssyncadd.s32 $0xFFFFF000  }
0x4a: {  	[spmem:s1] =	stream.indirect.scatter.add.f32 [tilespmem:s14], [sflag:$0x3], $0x20, s29, s13, $0xb8;
	[tilespmem:$0x11000] =	vst v63  }
0x4b: {  	_ =	swait.ge [sflag:s11], $0x1000  }
0x4c: {  	[sflag:s11] =	ssyncset.done $0x0  }
0x4d: {  	s30 =	simm.s32 $0x100;
	[sflag:s11] =	ssyncadd.s32 $0xFFFFF000  }
0x4e: {  	[tilespmem:s14], [sflag:$0x1] =	stream.indirect.gather [hbm4b:s4+s13], $0x20, s30, s13, $0xb8;
	[tilespmem:$0x11000] =	vst v63  }
0x4f: {  	_ =	swait.ge [sflag:s17], $0x1000  }
0x50: {  	[sflag:s17] =	ssyncset.done $0x0  }
0x51: {  	s31 =	simm.s32 $0x4F80;
	[sflag:s17] =	ssyncadd.s32 $0xFFFFF000  }
0x52: {  	[spmem:s1] =	stream.indirect.scatter.add.f32 [tilespmem:s15], [sflag:$0x3], $0x20, s31, s13, $0xb8;
	[tilespmem:$0x11000] =	vst v63  }
0x53: {  	_ =	swait.ge [sflag:s11], $0x1000  }
0x54: {  	[sflag:s11] =	ssyncset.done $0x0  }
0x55: {  	s23 =	simm.s32 $0x180;
	s22 =	simm.s32 $0x400;
	[sflag:s11] =	ssyncadd.s32 $0xFFFFF000  }
.LBB2_4:
0x56: {  	[tilespmem:s15], [sflag:$0x2] =	stream.indirect.gather [hbm4b:s4+s13], $0x20, s23, s13, $0xb8;
	[tilespmem:$0x11000] =	vst v63  }
0x57: {  	s23 =	smov.u32 s22  }
0x58: {  	p0 =	sne.s32 s22, $0x13400;
	s22 =	sadd.s32 $0x400, s22;
	_ =	swait.ge [sflag:s16], $0x1000  }
0x59: {  	s23 =	sshra.s32 s23, $0x2;
	[sflag:s16] =	ssyncset.done $0x0  }
0x5a: {  	s24 =	sadd.s32 $0x4F00, s23;
	[sflag:s16] =	ssyncadd.s32 $0xFFFFF000  }
0x5b: {  	[spmem:s1] =	stream.indirect.scatter.add.f32 [tilespmem:s14], [sflag:$0x3], $0x20, s24, s13, $0xb8;
	[tilespmem:$0x11000] =	vst v63  }
0x5c: {  	_ =	swait.ge [sflag:s11], $0x1000  }
0x5d: {  	[sflag:s11] =	ssyncset.done $0x0  }
0x5e: {  	s24 =	sadd.s32 $0x100, s23;
	[sflag:s11] =	ssyncadd.s32 $0xFFFFF000  }
0x5f: {  	[tilespmem:s14], [sflag:$0x1] =	stream.indirect.gather [hbm4b:s4+s13], $0x20, s24, s13, $0xb8;
	[tilespmem:$0x11000] =	vst v63  }
0x60: {  	_ =	swait.ge [sflag:s17], $0x1000  }
0x61: {  	[sflag:s17] =	ssyncset.done $0x0  }
.Ltmp1:
0x62: {  	s24 =	sadd.s32 $0x4F80, s23;
	[sflag:s17] =	ssyncadd.s32 $0xFFFFF000;
	(pc) =	sbr.rel @p0 .LBB2_4-.Ltmp1, $4  }
0x63: {  	[spmem:s1] =	stream.indirect.scatter.add.f32 [tilespmem:s15], [sflag:$0x3], $0x20, s24, s13, $0xb8;
	[tilespmem:$0x11000] =	vst v63  }
0x64: {  	_ =	swait.ge [sflag:s11], $0x1000  }
0x65: {  	[sflag:s11] =	ssyncset.done $0x0  }
0x66: {  	s23 =	sadd.s32 $0x180, s23;
	[sflag:s11] =	ssyncadd.s32 $0xFFFFF000  }
0x67: {  	[tilespmem:s15], [sflag:$0x2] =	stream.indirect.gather [hbm4b:s4+s13], $0x20, s23, s13, $0xb8;
	[tilespmem:$0x11000] =	vst v63  }
0x68: {  	_ =	swait.ge [sflag:s16], $0x1000  }
0x69: {  	[sflag:s16] =	ssyncset.done $0x0  }
0x6a: {  	[sflag:s16] =	ssyncadd.s32 $0xFFFFF000  }
0x6b: {  	[spmem:s1] =	stream.indirect.scatter.add.f32 [tilespmem:s14], [sflag:$0x3], $0x20, s18, s13, $0xb8;
	[tilespmem:$0x11000] =	vst v63  }
0x6c: {  	_ =	swait.ge [sflag:s11], $0x1000  }
0x6d: {  	[sflag:s11] =	ssyncset.done $0x0  }
0x6e: {  	[sflag:s11] =	ssyncadd.s32 $0xFFFFF000  }
0x6f: {  	_ =	swait.ge [sflag:s17], $0x1000  }
0x70: {  	[sflag:s17] =	ssyncset.done $0x0  }
0x71: {  	[sflag:s17] =	ssyncadd.s32 $0xFFFFF000  }
0x72: {  	[spmem:s1] =	stream.indirect.scatter.add.f32 [tilespmem:s15], [sflag:$0x3], $0x20, s19, s13, $0xb8;
	[tilespmem:$0x11000] =	vst v63  }
0x73: {  	_ =	swait.ge [sflag:s11], $0x1000  }
0x74: {  	s3 =	sadd.s32 $0x1, s3;
	[sflag:s11] =	ssyncset.done $0x0  }
0x75: {  	p0 =	sne.s32 s3, s9;
	[sflag:s11] =	ssyncadd.s32 $0xFFFFF000  }
.Ltmp2:
0x76: {  	[bflag:$0x0] =	sbarrier.arrive $0xFFFF;
	(pc) =	sbr.rel @p0 .LBB2_1-.Ltmp2, $4  }
0x77: {  	[hbm:s8], [sflag:s20] =	dma.local [spmem:s21], $0xA00  }
0x78: {  	_ =	swait.ge [sflag:s11], $0xA00  }
0x79: {  	[sflag:s11] =	ssyncset.done $0x0  }
0x7a: {  	[sflag:s11] =	ssyncadd.s32 $0xFFFFF600  }
0x7b: {  	_ =	sfence.sel $0x180000  }
0x7c: {  	[bflag:$0x0] =	sbarrier.arrive $0xFFFF  }
0x7d: {  	p0 =	sne.s32 s2, $0x0;
	_ =	strace $0x9000004A  }
0x7e: {  	s0 =	sadd.s32 @!p0 $0x100000, s0;
	[bflag:$0x2] =	sbarrier.arrive $0xFFFF  }
0x7f: {  	[sflag:s0] =	ssyncadd.tile.s32 @!p0 $0x1;
	_ =	shalt  }
.Lfunc_end2:
_tile_overlayer_lowered:
.L_overlay_start_2:
0x80: {  	(tag) =	ssettag $0x2  }
0x81: {  	s0 =	rddreg [dreg:$0x0];
	s2 =	stileid.u32  }
0x82: {  	s1 =	rddreg [dreg:$0x1];
	p0 =	sne.s32 s2, $0x0  }
0x83: {  	s3 =	rddreg [dreg:$0x2];
	[bflag:$0x3] =	sbarrier.arrive $0xFFFF;
	s2 =	simm.s32 @!p0 $0x1C03  }
0x84: {  	[timem:s3], [sflag:s2] =	dma.local @!p0 [hbm:s0], s1  }
0x85: {  	s0 =	simm.s32 @!p0 $0x3  }
0x86: {  	_ =	swait.ge @!p0 [sflag:s0], s1  }
0x87: {  	s1 =	ssub.s32 @!p0 $0x0, s1;
	[sflag:s0] =	ssyncset.done @!p0 $0x0  }
0x88: {  	[sflag:s0] =	ssyncadd.s32 @!p0 s1  }
0x89: {  	[bflag:$0x3] =	sbarrier.arrive $0xFFFF  }
0x8a: {  	_ =	shalt  }

// kernel: kernel.7.cloned.1.call-start
scs
__scs_entry_jumppad:
0x0: {  	(pc) =	sbr.rel $0x88, $3  }
0x1: {  	(tag) =	ssettag $0x0;
	lr =	simm.s32 $0x1  }
0x2: {  	[smem:$0x3F97] =	sst lr;
	_ =	strace $0xD0000000  }
0x3: {  	_ = 	snop  }
0x4: {  	_ = 	snop  }
0x5: {  	_ = 	snop  }
0x6: {  	_ = 	snop  }
0x7: {  	_ = 	snop  }
__scs_overlays_trampoline_lowered:
0x8: {  	[smem:$0x3FA6] =	sst s0  }
0x9: {  	[smem:$0x3FA7] =	sst s1  }
0xa: {  	[smem:$0x3FA8] =	sst s2  }
0xb: {  	[smem:$0x3FA9] =	sst s3  }
0xc: {  	[smem:$0x3FAA] =	sst s4  }
0xd: {  	[smem:$0x3FAB] =	sst s5  }
0xe: {  	[smem:$0x3FAC] =	sst s6  }
0xf: {  	[smem:$0x3FAD] =	sst s7  }
0x10: {  	[smem:$0x3FAE] =	sst s8  }
0x11: {  	[smem:$0x3FAF] =	sst s9;
	s0 =	simm.s32 @!p0 $0x0  }
0x12: {  	s1 =	sld [smem:$0x3F95];
	s0 =	simm.s32 @p0 $0x1  }
0x13: {  	[smem:$0x3FB0] =	sst s0;
	s0 =	simm.s32 @!p1 $0x0  }
0x14: {  	s2 =	sld [smem:$0x3F94];
	s0 =	simm.s32 @p1 $0x1  }
0x15: {  	[smem:$0x3FB1] =	sst s0;
	s0 =	simm.s32 @!p2 $0x0  }
0x16: {  	s3 =	sld [smem:$0x3FDB];
	s0 =	simm.s32 @p2 $0x1  }
0x17: {  	s4 =	simm.s32 $0x1BF5;
	[smem:$0x3FB3] =	sst s0  }
0x18: {  	s0 =	sld [smem:$0x3F96];
	_ =	swait.ge [sflag:s4], $0x0  }
0x19: {  	s7 =	sld [smem:$0x3F97]  }
0x1a: {  	s8 =	sadd.s32 $0xFFFFE003, lr  }
0x1b: {  	s9 =	sadd.s32 $0xFFFFFEF7, lr;
	s5 =	simm.s32 $0xFFFFFFFF;
	p2 =	slt.u32 s8, $0xFFFFF086  }
0x1c: {  	p1 =	slt.u32 s9, $0xF7A;
	s5 =	simm.s32 @!p2 $0x0  }
0x1d: {  	s5 =	simm.s32 @p1 $0x1;
	p0 =	seq.s32 s7, s2  }
0x1e: {  	s7 =	smul.u32 @!p0 $0xF7A, s2;
	p2 =	seq.s32 @!p0 s5, $0x0  }
0x1f: {  	s9 =	smul.u32 $0xF7A, s1;
	s8 =	simm.s32 @!p0 $0x1BF5;
	p2 =	por !p2, p0  }
0x20: {  	[sflag:s8] =	ssyncset.s32 @!p0 $0xFFFFF086;
	s6 =	sadd.s32 @!p0 s3, s7;
	s7 =	simm.s32 @!p0 $0x108  }
0x21: {  	s3 =	sadd.s32 s3, s9;
	s6 =	sadd.s32 @!p0 $0x88, s6;
	s7 =	simm.s32 @p2 $0x1082  }
0x22: {  	[simem:s7], [sflag:s8] =	dma.local @!p0 [hbm:s6], $0xF7A  }
0x23: {  	s9 =	sor.u32 $0xD0000000, s2;
	s6 =	simm.s32 $0x108;
	_ =	swait.ge @!p0 [sflag:s8], $0x0  }
0x24: {  	s3 =	sadd.s32 $0x88, s3;
	s6 =	simm.s32 @!p1 $0x1082;
	[sflag:s4] =	ssyncset.s32 $0xFFFFF086  }
0x25: {  	[simem:s6], [sflag:s4] =	dma.local [hbm:s3], $0xF7A  }
0x26: {  	[smem:$0x3F97] =	sst s1;
	(tag) =	ssettag s2;
	_ =	strace s9  }
0x27: {  	s1 =	sld [smem:$0x3FA7]  }
0x28: {  	s2 =	sld [smem:$0x3FA8]  }
0x29: {  	s4 =	sld [smem:$0x3FAA]  }
0x2a: {  	p0 =	seq.s32 s5, $0x0;
	s5 =	sld [smem:$0x3FAB]  }
0x2b: {  	s6 =	sld [smem:$0x3FAC]  }
0x2c: {  	s7 =	sld [smem:$0x3FAD]  }
0x2d: {  	s3 =	simm.s32 $0x108;
	s8 =	sld [smem:$0x3FAE]  }
0x2e: {  	s3 =	simm.s32 @!p0 $0x1082;
	s9 =	sld [smem:$0x3FAF]  }
0x2f: {  	lr =	sadd.s32 s0, s3;
	s0 =	sld [smem:$0x3FA6]  }
0x30: {  	s3 =	sld [smem:$0x3FA9]  }
0x31: {  	[smem:$0x3FB2] =	sst s10  }
0x32: {  	s10 =	sld [smem:$0x3FB0];
	_ =	sdelay $0x3  }
0x33: {  	p0 =	seq.s32 s10, $0x1;
	s10 =	sld [smem:$0x3FB2];
	_ =	sdelay $0x3  }
0x34: {  	[smem:$0x3FB2] =	sst s10  }
0x35: {  	s10 =	sld [smem:$0x3FB1];
	_ =	sdelay $0x3  }
0x36: {  	p1 =	seq.s32 s10, $0x1;
	s10 =	sld [smem:$0x3FB2];
	_ =	sdelay $0x3  }
0x37: {  	[smem:$0x3FB2] =	sst s10  }
0x38: {  	s10 =	sld [smem:$0x3FB3]  }
0x39: {  	_ = 	snop;
	(pc) =	sbr.ind lr, $3  }
0x3a: {  	_ = 	snop  }
0x3b: {  	_ = 	snop  }
0x3c: {  	p2 =	seq.s32 s10, $0x1;
	s10 =	sld [smem:$0x3FB2]  }
0x3d: {  	_ =	shalt  }
0x3e: {  	_ =	shalt  }
0x3f: {  	_ =	shalt  }
0x40: {  	_ =	shalt  }
0x41: {  	_ =	shalt  }
0x42: {  	_ =	shalt  }
0x43: {  	_ =	shalt  }
0x44: {  	_ =	shalt  }
0x45: {  	_ =	shalt  }
0x46: {  	_ =	shalt  }
0x47: {  	_ =	shalt  }
0x48: {  	_ =	shalt  }
0x49: {  	_ =	shalt  }
0x4a: {  	_ =	shalt  }
0x4b: {  	_ =	shalt  }
0x4c: {  	_ =	shalt  }
0x4d: {  	_ =	shalt  }
0x4e: {  	_ =	shalt  }
0x4f: {  	_ =	shalt  }
0x50: {  	_ =	shalt  }
0x51: {  	_ =	shalt  }
0x52: {  	_ =	shalt  }
0x53: {  	_ =	shalt  }
0x54: {  	_ =	shalt  }
0x55: {  	_ =	shalt  }
0x56: {  	_ =	shalt  }
0x57: {  	_ =	shalt  }
0x58: {  	_ =	shalt  }
0x59: {  	_ =	shalt  }
0x5a: {  	_ =	shalt  }
0x5b: {  	_ =	shalt  }
0x5c: {  	_ =	shalt  }
0x5d: {  	_ =	shalt  }
0x5e: {  	_ =	shalt  }
0x5f: {  	_ =	shalt  }
0x60: {  	_ =	shalt  }
0x61: {  	_ =	shalt  }
0x62: {  	_ =	shalt  }
0x63: {  	_ =	shalt  }
0x64: {  	_ =	shalt  }
0x65: {  	_ =	shalt  }
0x66: {  	_ =	shalt  }
0x67: {  	_ =	shalt  }
0x68: {  	_ =	shalt  }
0x69: {  	_ =	shalt  }
0x6a: {  	_ =	shalt  }
0x6b: {  	_ =	shalt  }
0x6c: {  	_ =	shalt  }
0x6d: {  	_ =	shalt  }
0x6e: {  	_ =	shalt  }
0x6f: {  	_ =	shalt  }
0x70: {  	_ =	shalt  }
0x71: {  	_ =	shalt  }
0x72: {  	_ =	shalt  }
0x73: {  	_ =	shalt  }
0x74: {  	_ =	shalt  }
0x75: {  	_ =	shalt  }
0x76: {  	_ =	shalt  }
0x77: {  	_ =	shalt  }
0x78: {  	_ =	shalt  }
0x79: {  	_ =	shalt  }
0x7a: {  	_ =	shalt  }
0x7b: {  	_ =	shalt  }
0x7c: {  	_ =	shalt  }
0x7d: {  	_ =	shalt  }
0x7e: {  	_ =	shalt  }
0x7f: {  	_ =	shalt  }
0x80: {  	_ =	shalt  }
0x81: {  	_ =	shalt  }
0x82: {  	_ =	shalt  }
0x83: {  	_ =	shalt  }
0x84: {  	_ =	shalt  }
0x85: {  	_ =	shalt  }
0x86: {  	_ =	shalt  }
0x87: {  	_ =	shalt  }
.Lfunc_end0:
.L_simem_size_0:
called_computation_lowered:
.L_overlay_start_0:
0x88: {  	s2 =	sld [smem:$0x3FD9]  }
0x89: {  	s3 =	sld [smem:$0x3FFE];
	_ =	sdelay $0x1  }
0x8a: {  	s1 =	srdreg.scid  }
0x8b: {  	s0 =	sand.u32 $0x1, s1  }
0x8c: {  	s17 =	sshll.u32 s0, $0xA;
	s2 =	sadd.s32 s3, s2  }
0x8d: {  	s2 =	sadd.s32 s2, s17  }
0x8e: {  	[smem:$0x3FBE] =	sst s2  }
0x8f: {  	_ = 	snop  }
0x90: {  	s2 =	sld [smem:$0x3FD0];
	(tm) =	ssettm $0x1  }
0x91: {  	s18 =	sld [smem:$0x3FFB];
	_ =	sdelay $0x3  }
0x92: {  	_ =	strace s18  }
0x93: {  	s3 =	sld [smem:$0x3FFC];
	_ =	sdelay $0x3  }
0x94: {  	_ =	strace s3  }
0x95: {  	s3 =	sld [smem:$0x3FFD];
	_ =	sdelay $0x3  }
0x96: {  	_ =	strace s3  }
0x97: {  	_ =	strace $0x8FFFFFFF  }
0x98: {  	s19 =	sld [smem:$0x3FDB];
	_ =	sdelay $0x1  }
0x99: {  	s4 =	simm.s32 $_scs_section_size  }
0x9a: {  	s5 =	simm.s32 $_size__tile_overlayer_lowered;
	s6 =	simm.s32 $_tile_overlayer_lowered  }
0x9b: {  	s22 =	simm.s32 $0x1BFF;
	s21 =	sshll.u32 s6, $0x1;
	s3 =	sadd.s32 s4, s19  }
0x9c: {  	s7 =	simm.s32 $0x0;
	s20 =	sshll.u32 s5, $0x1;
	s5 =	sadd.s32 s21, s3  }
0x9d: {  	[timem:s7], [sflag:s22] =	dma.local [hbm:s5], s20  }
0x9e: {  	_ =	swait.ge [sflag:s22], s20  }
0x9f: {  	s4 =	ssub.s32 $0x0, s20;
	[sflag:s22] =	ssyncset.done $0x0  }
0xa0: {  	[sflag:s22] =	ssyncadd.s32 s4;
	_ =	sdelay $0x1  }
0xa1: {  	s23 =	simm.s32 $0x1B8B  }
0xa2: {  	_ =	swait.ge [sflag:s23], $0x1  }
0xa3: {  	[sflag:s23] =	ssyncset.done $0x0  }
0xa4: {  	s25 =	simm.s32 $0x1B8E;
	s24 =	sld [smem:$0x3FFE];
	[sflag:s23] =	ssyncadd.s32 $0xFFFFFFFF  }
0xa5: {  	s26 =	simm.s32 $execute0_lowered;
	[smem:$0x3FD2] =	sst s25  }
0xa6: {  	s5 =	sshll.u32 s26, $0x1;
	_ =	strace $0x80000046;
	[dreg:$0x1] =	wrdreg $0xFFFFFFFF  }
0xa7: {  	s28 =	simm.s32 $_size_execute0_lowered;
	s3 =	sadd.s32 s3, s5;
	[dreg:$0x0] =	wrdreg $0x0  }
0xa8: {  	s5 =	sshll.u32 s28, $0x1;
	[dreg:$0x2] =	wrdreg s3  }
0xa9: {  	[dreg:$0x3] =	wrdreg s5  }
0xaa: {  	[dreg:$0x4] =	wrdreg $0xC0  }
0xab: {  	_ =	task [dreg:s7], $0x5FFFF  }
0xac: {  	[dreg:$0x1] =	wrdreg $0xFFFFFFFF  }
0xad: {  	[dreg:$0x0] =	wrdreg $0x60  }
0xae: {  	[dreg:$0x2] =	wrdreg s24  }
0xaf: {  	[dreg:$0x3] =	wrdreg s2  }
0xb0: {  	[dreg:$0x4] =	wrdreg $0xF3000  }
0xb1: {  	[dreg:$0x5] =	wrdreg $0x9  }
0xb2: {  	_ =	task.clear_ibuf [dreg:s7], $0x6FFFF;
	_ =	strace $0x90000046  }
0xb3: {  	s29 =	simm.s32 $0x9;
	_ =	strace $0x80000048  }
0xb4: {  	_ =	swait.ge [sflag:s29], $0x1  }
0xb5: {  	[sflag:s29] =	ssyncadd.s32 $0xFFFFFFFF  }
0xb6: {  	_ =	strace $0x90000048  }
0xb7: {  	_ =	sfence  }
0xb8: {  	s30 =	sld [smem:$0x0];
	_ =	sdelay $0x2  }
0xb9: {  	s31 =	sshll.u32 s1, $0xD;
	s1 =	sshrl.u32 s1, $0x2  }
0xba: {  	s3 =	sand.u32 $0x4000, s31;
	s1 =	sadd.s32 s1, s30  }
0xbb: {  	s0 =	sor.u32 s3, s0;
	s1 =	sshll.u32 s1, $0x11  }
0xbc: {  	s0 =	sor.u32 s1, s0  }
0xbd: {  	s0 =	sadd.s32 $0x8F2B, s0  }
0xbe: {  	[sflag:s0] =	ssyncadd.remote.s32 $0x1  }
0xbf: {  	_ =	sfence.sel $0xFFFF  }
0xc0: {  	[dreg:$0x0] =	wrdreg $0xFFFFFFFF;
	(pc) =	sbr.abs _section_cstart, $3  }
0xc1: {  	[dreg:$0x1] =	wrdreg $0xFFFFFFFF  }
0xc2: {  	_ =	task.clear_ibuf [dreg:s7], $0x2FFFF;
	_ =	strace $0x9FFFFFFF  }
0xc3: {  	(tm) =	ssettm $0x7FFFFFFF  }
tec
execute0_lowered:
.L_overlay_start_1:
0x0: {  	(tag) =	ssettag $0x1  }
0x1: {  	s5 =	rddreg [dreg:$0x0]  }
0x2: {  	s6 =	rddreg [dreg:$0x1]  }
0x3: {  	s0 =	stileid.u32;
	s1 =	srdreg.scid  }
0x4: {  	s2 =	rddreg [dreg:$0x2];
	s3 =	simm.s32 $0x0;
	s13 =	simm.s32 $0x80  }
0x5: {  	s14 =	simm.s32 $0x9E00;
	s15 =	simm.s32 $0xC600;
	s16 =	simm.s32 $0x1  }
0x6: {  	s17 =	simm.s32 $0x2;
	s18 =	simm.s32 $0x9D00;
	s7 =	smul.u32 $0x4F00, s0  }
0x7: {  	s8 =	sand.u32 $0x1, s1;
	s1 =	rddreg [dreg:$0x3];
	s9 =	smul.u32 $0xC800, s0  }
0x8: {  	s19 =	simm.s32 $0x9D80;
	[smem:$0x7FF] =	sst s3;
	s30 =	smul.u32 $0x32000, s0  }
0x9: {  	s20 =	sshll.u32 s0, $0x6;
	s4 =	smul.u32 $0xC8000, s8;
	_ =	strace $0x80000047  }
0xa: {  	s12 =	smul.u32 $0x4F000, s8;
	s29 =	ssub.s32 $0x2, s8;
	s20 =	sor.u32 $0x1C03, s20  }
0xb: {  	s10 =	sshrl.u32 s7, $0x3;
	s8 =	sshrl.u32 s29, $0x1;
	s21 =	sadd.s32 s9, s2  }
0xc: {  	s31 =	sshrl.u32 s30, $0x2;
	s11 =	sadd.s32 s9, s4;
	s4 =	sadd.s32 $0x1800, s5  }
0xd: {  	s10 =	sadd.s32 s10, s5;
	s7 =	sadd.s32 s7, s12;
	s8 =	ssub.s32 s29, s8  }
0xe: {  	s9 =	sadd.s32 s31, s2;
	s12 =	simm.s32 $0x4F00;
	s21 =	sshrl.u32 s21, $0x3  }
0xf: {  	s11 =	sshrl.u32 s11, $0x3;
	s7 =	sshrl.u32 s7, $0x3;
	s8 =	smax.u32 s8, $0x1  }
0x10: {  	s11 =	sadd.s32 s11, s5;
	s5 =	sadd.s32 s6, s7;
	s6 =	sadd.s32 $0x33800, s10  }
0x11: {  	v0 =	vimm.f32 $0.0e+00;
	s10 =	simm.s32 $0xEE00;
	s7 =	sadd.s32 $0x3D600, s11;
	s11 =	simm.s32 $0x3  }
.LBB2_1:
0x12: {  	[tilespmem:$0xEE00] =	vst v0  }
0x13: {  	[tilespmem:$0xEE10] =	vst v0  }
0x14: {  	[tilespmem:$0xEE20] =	vst v0  }
0x15: {  	[tilespmem:$0xEE30] =	vst v0  }
0x16: {  	[tilespmem:$0xEE40] =	vst v0  }
0x17: {  	[tilespmem:$0xEE50] =	vst v0  }
0x18: {  	[tilespmem:$0xEE60] =	vst v0  }
0x19: {  	[tilespmem:$0xEE70] =	vst v0  }
0x1a: {  	[tilespmem:$0xEE80] =	vst v0  }
0x1b: {  	[tilespmem:$0xEE90] =	vst v0  }
0x1c: {  	[tilespmem:$0xEEA0] =	vst v0  }
0x1d: {  	[tilespmem:$0xEEB0] =	vst v0  }
0x1e: {  	[tilespmem:$0xEEC0] =	vst v0  }
0x1f: {  	[tilespmem:$0xEED0] =	vst v0  }
0x20: {  	[tilespmem:$0xEEE0] =	vst v0  }
0x21: {  	[tilespmem:$0xEEF0] =	vst v0  }
0x22: {  	[tilespmem:$0xEF00] =	vst v0  }
0x23: {  	[tilespmem:$0xEF10] =	vst v0  }
0x24: {  	[tilespmem:$0xEF20] =	vst v0  }
0x25: {  	[tilespmem:$0xEF30] =	vst v0  }
0x26: {  	[tilespmem:$0xEF40] =	vst v0  }
0x27: {  	[tilespmem:$0xEF50] =	vst v0  }
0x28: {  	[tilespmem:$0xEF60] =	vst v0  }
0x29: {  	[tilespmem:$0xEF70] =	vst v0  }
0x2a: {  	[tilespmem:$0xEF80] =	vst v0  }
0x2b: {  	[tilespmem:$0xEF90] =	vst v0  }
0x2c: {  	[tilespmem:$0xEFA0] =	vst v0  }
0x2d: {  	[tilespmem:$0xEFB0] =	vst v0  }
0x2e: {  	[tilespmem:$0xEFC0] =	vst v0  }
0x2f: {  	[tilespmem:$0xEFD0] =	vst v0  }
0x30: {  	[tilespmem:$0xEFE0] =	vst v0  }
0x31: {  	[tilespmem:$0xEFF0] =	vst v0  }
0x32: {  	[tilespmem:$0xF000] =	vst v0  }
0x33: {  	[tilespmem:$0xF010] =	vst v0  }
0x34: {  	[tilespmem:$0xF020] =	vst v0  }
0x35: {  	[tilespmem:$0xF030] =	vst v0  }
0x36: {  	[tilespmem:$0xF040] =	vst v0  }
0x37: {  	[tilespmem:$0xF050] =	vst v0  }
0x38: {  	[tilespmem:$0xF060] =	vst v0  }
0x39: {  	[tilespmem:$0xF070] =	vst v0  }
0x3a: {  	[tilespmem:$0xF080] =	vst v0  }
0x3b: {  	[tilespmem:$0xF090] =	vst v0  }
0x3c: {  	[tilespmem:$0xF0A0] =	vst v0  }
0x3d: {  	[tilespmem:$0xF0B0] =	vst v0  }
0x3e: {  	[tilespmem:$0xF0C0] =	vst v0  }
0x3f: {  	[tilespmem:$0xF0D0] =	vst v0  }
0x40: {  	[tilespmem:$0xF0E0] =	vst v0  }
0x41: {  	[tilespmem:$0xF0F0] =	vst v0  }
0x42: {  	[tilespmem:$0xF100] =	vst v0  }
0x43: {  	[tilespmem:$0xF110] =	vst v0  }
0x44: {  	[tilespmem:$0xF120] =	vst v0  }
0x45: {  	[tilespmem:$0xF130] =	vst v0  }
0x46: {  	[tilespmem:$0xF140] =	vst v0  }
0x47: {  	[tilespmem:$0xF150] =	vst v0  }
0x48: {  	[tilespmem:$0xF160] =	vst v0  }
0x49: {  	[tilespmem:$0xF170] =	vst v0  }
0x4a: {  	[tilespmem:$0xF180] =	vst v0  }
0x4b: {  	[tilespmem:$0xF190] =	vst v0  }
0x4c: {  	[tilespmem:$0xF1A0] =	vst v0  }
0x4d: {  	[tilespmem:$0xF1B0] =	vst v0  }
0x4e: {  	[tilespmem:$0xF1C0] =	vst v0  }
0x4f: {  	[tilespmem:$0xF1D0] =	vst v0  }
0x50: {  	[tilespmem:$0xF1E0] =	vst v0  }
0x51: {  	[tilespmem:$0xF1F0] =	vst v0  }
0x52: {  	[tilespmem:$0xF200] =	vst v0  }
0x53: {  	[tilespmem:$0xF210] =	vst v0  }
0x54: {  	[tilespmem:$0xF220] =	vst v0  }
0x55: {  	[tilespmem:$0xF230] =	vst v0  }
0x56: {  	[tilespmem:$0xF240] =	vst v0  }
0x57: {  	[tilespmem:$0xF250] =	vst v0  }
0x58: {  	[tilespmem:$0xF260] =	vst v0  }
0x59: {  	[tilespmem:$0xF270] =	vst v0  }
0x5a: {  	[tilespmem:$0xF280] =	vst v0  }
0x5b: {  	[tilespmem:$0xF290] =	vst v0  }
0x5c: {  	[tilespmem:$0xF2A0] =	vst v0  }
0x5d: {  	[tilespmem:$0xF2B0] =	vst v0  }
0x5e: {  	[tilespmem:$0xF2C0] =	vst v0  }
0x5f: {  	[tilespmem:$0xF2D0] =	vst v0  }
0x60: {  	[tilespmem:$0xF2E0] =	vst v0  }
0x61: {  	[tilespmem:$0xF2F0] =	vst v0;
	s22 =	sadd.s32 $0x0, s9  }
0x62: {  	[spmem:s22] =	stream.linear.scatter [tilespmem:s10], [sflag:$0x3], $0x500, $0x38;
	[tilespmem:$0x1BB00] =	vst v63  }
0x63: {  	s22 =	simm.s32 $0x1400;
	_ =	swait.ge [sflag:s11], $0x500  }
.LBB2_2:
0x64: {  	s23 =	sshra.s32 s22, $0x2;
	[sflag:s11] =	ssyncset.done $0x0;
	p0 =	sne.s32 s22, $0x30C00  }
.Ltmp0:
0x65: {  	s23 =	sadd.s32 s23, s9;
	[sflag:s11] =	ssyncadd.s32 $0xFFFFFB00;
	(pc) =	sbr.rel @p0 .LBB2_2-.Ltmp0, $3  }
0x66: {  	[spmem:s23] =	stream.linear.scatter [tilespmem:s10], [sflag:$0x3], $0x500, $0x38;
	[tilespmem:$0x1BB00] =	vst v63  }
0x67: {  	s22 =	sadd.s32 $0x1400, s22;
	_ =	sdelay $0x1  }
0x68: {  	_ =	swait.ge [sflag:s11], $0x500  }
0x69: {  	[sflag:s11] =	ssyncset.done $0x0  }
0x6a: {  	s22 =	simm.s32 $0x0;
	[sflag:s11] =	ssyncadd.s32 $0xFFFFFB00  }
0x6b: {  	[tilespmem:s22], [sflag:$0x3] =	stream.linear.gather [hbm4b:s5+s22], $0x4F00, $0x38;
	[tilespmem:$0x1BB00] =	vst v63  }
0x6c: {  	_ =	swait.ge [sflag:s11], $0x4F00  }
0x6d: {  	[sflag:s11] =	ssyncset.done $0x0  }
0x6e: {  	[sflag:s11] =	ssyncadd.s32 $0xFFFFB100  }
0x6f: {  	[tilespmem:s12], [sflag:$0x3] =	stream.linear.gather [hbm4b:s6+s22], $0x4F00, $0x38;
	[tilespmem:$0x1BB00] =	vst v63  }
0x70: {  	_ =	swait.ge [sflag:s11], $0x4F00  }
0x71: {  	[sflag:s11] =	ssyncset.done $0x0  }
0x72: {  	[sflag:s11] =	ssyncadd.s32 $0xFFFFB100  }
0x73: {  	[bflag:$0x0] =	sbarrier.arrive $0xFFFF  }
0x74: {  	[tilespmem:s14], [sflag:$0x1] =	stream.indirect.gather [hbm4b:s4+s13], $0x50, s22, s13, $0xb8;
	[tilespmem:$0x1BB00] =	vst v63  }
0x75: {  	_ = 	snop  }
0x76: {  	[tilespmem:s15], [sflag:$0x2] =	stream.indirect.gather [hbm4b:s4+s13], $0x50, s13, s13, $0xb8;
	[tilespmem:$0x1BB00] =	vst v63  }
0x77: {  	_ =	swait.ge [sflag:s16], $0x2800  }
0x78: {  	[sflag:s16] =	ssyncset.done $0x0  }
0x79: {  	s29 =	simm.s32 $0x4F00;
	[sflag:s16] =	ssyncadd.s32 $0xFFFFD800  }
0x7a: {  	[spmem:s2] =	stream.indirect.scatter.add.f32 [tilespmem:s14], [sflag:$0x3], $0x50, s29, s13, $0xb8;
	[tilespmem:$0x1BB00] =	vst v63  }
0x7b: {  	_ =	swait.ge [sflag:s11], $0x2800  }
0x7c: {  	[sflag:s11] =	ssyncset.done $0x0  }
0x7d: {  	s30 =	simm.s32 $0x100;
	[sflag:s11] =	ssyncadd.s32 $0xFFFFD800  }
0x7e: {  	[tilespmem:s14], [sflag:$0x1] =	stream.indirect.gather [hbm4b:s4+s13], $0x50, s30, s13, $0xb8;
	[tilespmem:$0x1BB00] =	vst v63  }
0x7f: {  	_ =	swait.ge [sflag:s17], $0x2800  }
0x80: {  	[sflag:s17] =	ssyncset.done $0x0  }
0x81: {  	s31 =	simm.s32 $0x4F80;
	[sflag:s17] =	ssyncadd.s32 $0xFFFFD800  }
0x82: {  	[spmem:s2] =	stream.indirect.scatter.add.f32 [tilespmem:s15], [sflag:$0x3], $0x50, s31, s13, $0xb8;
	[tilespmem:$0x1BB00] =	vst v63  }
0x83: {  	_ =	swait.ge [sflag:s11], $0x2800  }
0x84: {  	[sflag:s11] =	ssyncset.done $0x0  }
0x85: {  	s23 =	simm.s32 $0x180;
	s22 =	simm.s32 $0x400;
	[sflag:s11] =	ssyncadd.s32 $0xFFFFD800  }
.LBB2_4:
0x86: {  	[tilespmem:s15], [sflag:$0x2] =	stream.indirect.gather [hbm4b:s4+s13], $0x50, s23, s13, $0xb8;
	[tilespmem:$0x1BB00] =	vst v63  }
0x87: {  	s23 =	smov.u32 s22  }
0x88: {  	p0 =	sne.s32 s22, $0x13400;
	s22 =	sadd.s32 $0x400, s22;
	_ =	swait.ge [sflag:s16], $0x2800  }
0x89: {  	s23 =	sshra.s32 s23, $0x2;
	[sflag:s16] =	ssyncset.done $0x0  }
0x8a: {  	s24 =	sadd.s32 $0x4F00, s23;
	[sflag:s16] =	ssyncadd.s32 $0xFFFFD800  }
0x8b: {  	[spmem:s2] =	stream.indirect.scatter.add.f32 [tilespmem:s14], [sflag:$0x3], $0x50, s24, s13, $0xb8;
	[tilespmem:$0x1BB00] =	vst v63  }
0x8c: {  	_ =	swait.ge [sflag:s11], $0x2800  }
0x8d: {  	[sflag:s11] =	ssyncset.done $0x0  }
0x8e: {  	s24 =	sadd.s32 $0x100, s23;
	[sflag:s11] =	ssyncadd.s32 $0xFFFFD800  }
0x8f: {  	[tilespmem:s14], [sflag:$0x1] =	stream.indirect.gather [hbm4b:s4+s13], $0x50, s24, s13, $0xb8;
	[tilespmem:$0x1BB00] =	vst v63  }
0x90: {  	_ =	swait.ge [sflag:s17], $0x2800  }
0x91: {  	[sflag:s17] =	ssyncset.done $0x0  }
.Ltmp1:
0x92: {  	s24 =	sadd.s32 $0x4F80, s23;
	[sflag:s17] =	ssyncadd.s32 $0xFFFFD800;
	(pc) =	sbr.rel @p0 .LBB2_4-.Ltmp1, $4  }
0x93: {  	[spmem:s2] =	stream.indirect.scatter.add.f32 [tilespmem:s15], [sflag:$0x3], $0x50, s24, s13, $0xb8;
	[tilespmem:$0x1BB00] =	vst v63  }
0x94: {  	_ =	swait.ge [sflag:s11], $0x2800  }
0x95: {  	[sflag:s11] =	ssyncset.done $0x0  }
0x96: {  	s23 =	sadd.s32 $0x180, s23;
	[sflag:s11] =	ssyncadd.s32 $0xFFFFD800  }
0x97: {  	[tilespmem:s15], [sflag:$0x2] =	stream.indirect.gather [hbm4b:s4+s13], $0x50, s23, s13, $0xb8;
	[tilespmem:$0x1BB00] =	vst v63  }
0x98: {  	_ =	swait.ge [sflag:s16], $0x2800  }
0x99: {  	[sflag:s16] =	ssyncset.done $0x0  }
0x9a: {  	[sflag:s16] =	ssyncadd.s32 $0xFFFFD800  }
0x9b: {  	[spmem:s2] =	stream.indirect.scatter.add.f32 [tilespmem:s14], [sflag:$0x3], $0x50, s18, s13, $0xb8;
	[tilespmem:$0x1BB00] =	vst v63  }
0x9c: {  	_ =	swait.ge [sflag:s11], $0x2800  }
0x9d: {  	[sflag:s11] =	ssyncset.done $0x0  }
0x9e: {  	[sflag:s11] =	ssyncadd.s32 $0xFFFFD800  }
0x9f: {  	_ =	swait.ge [sflag:s17], $0x2800  }
0xa0: {  	[sflag:s17] =	ssyncset.done $0x0  }
0xa1: {  	[sflag:s17] =	ssyncadd.s32 $0xFFFFD800  }
0xa2: {  	[spmem:s2] =	stream.indirect.scatter.add.f32 [tilespmem:s15], [sflag:$0x3], $0x50, s19, s13, $0xb8;
	[tilespmem:$0x1BB00] =	vst v63  }
0xa3: {  	_ =	swait.ge [sflag:s11], $0x2800  }
0xa4: {  	s3 =	sadd.s32 $0x1, s3;
	[sflag:s11] =	ssyncset.done $0x0  }
0xa5: {  	p0 =	sne.s32 s3, s8;
	[sflag:s11] =	ssyncadd.s32 $0xFFFFD800  }
.Ltmp2:
0xa6: {  	[bflag:$0x0] =	sbarrier.arrive $0xFFFF;
	(pc) =	sbr.rel @p0 .LBB2_1-.Ltmp2, $4  }
0xa7: {  	[hbm:s7], [sflag:s20] =	dma.local [spmem:s21], $0x1900  }
0xa8: {  	_ =	swait.ge [sflag:s11], $0x1900  }
0xa9: {  	[sflag:s11] =	ssyncset.done $0x0  }
0xaa: {  	[sflag:s11] =	ssyncadd.s32 $0xFFFFE700  }
0xab: {  	_ =	sfence.sel $0x180000  }
0xac: {  	[bflag:$0x0] =	sbarrier.arrive $0xFFFF  }
0xad: {  	p0 =	sne.s32 s0, $0x0;
	_ =	strace $0x90000047  }
0xae: {  	s0 =	sadd.s32 @!p0 $0x100000, s1;
	[bflag:$0x2] =	sbarrier.arrive $0xFFFF  }
0xaf: {  	[sflag:s0] =	ssyncadd.tile.s32 @!p0 $0x1;
	_ =	shalt  }
.Lfunc_end2:
_tile_overlayer_lowered:
.L_overlay_start_2:
0xb0: {  	(tag) =	ssettag $0x2  }
0xb1: {  	s0 =	rddreg [dreg:$0x0];
	s2 =	stileid.u32  }
0xb2: {  	s1 =	rddreg [dreg:$0x1];
	p0 =	sne.s32 s2, $0x0  }
0xb3: {  	s3 =	rddreg [dreg:$0x2];
	[bflag:$0x3] =	sbarrier.arrive $0xFFFF;
	s2 =	simm.s32 @!p0 $0x1C03  }
0xb4: {  	[timem:s3], [sflag:s2] =	dma.local @!p0 [hbm:s0], s1  }
0xb5: {  	s0 =	simm.s32 @!p0 $0x3  }
0xb6: {  	_ =	swait.ge @!p0 [sflag:s0], s1  }
0xb7: {  	s1 =	ssub.s32 @!p0 $0x0, s1;
	[sflag:s0] =	ssyncset.done @!p0 $0x0  }
0xb8: {  	[sflag:s0] =	ssyncadd.s32 @!p0 s1  }
0xb9: {  	[bflag:$0x3] =	sbarrier.arrive $0xFFFF  }
0xba: {  	_ =	shalt  }

</sc_bundles>
